<compile_context>
chip_gen: v7x
topology: tpu7x:2x2x1
jax: 0.10.2.dev20260603
libtpu: 0.0.44.dev20260713+nightly
codegen_flags: <defaults>
</compile_context>

<pallas_src>
import functools

import jax
import jax.numpy as jnp
from jax import lax
from jax.experimental import pallas as pl
from jax.experimental.pallas import tpu as pltpu
from jax.experimental.pallas import tpu_sc as plsc

K = 8192
D = 256
N = 8192
BETA = 0.25

TN = 1024
CK = 1024
CHUNKS = K // CK
GRID_I = N // TN
LOSS_SCALE = (1.0 + BETA) / (N * D)

CH = 128


def _vq_dist_body(lat_ref, emb_ref, l2_ref, e2_ref, inds_ref, loss_ref,
                  acc_s):
    i = pl.program_id(0)
    lat = lat_ref[...]
    l2 = l2_ref[...]
    m = None
    arg = None
    row_f = lax.broadcasted_iota(jnp.int32, (CK, TN), 0).astype(jnp.float32)
    lat2 = lat + lat
    for c in range(CHUNKS):
        emb_c = emb_ref[pl.ds(c * CK, CK), :]
        scores2 = lax.dot_general(
            emb_c, lat2, (((1,), (1,)), ((), ())),
            preferred_element_type=jnp.float32)
        e2_c = e2_ref[pl.ds(c * CK, CK), :]
        dist = (l2 + e2_c) - scores2
        m_c = jnp.min(dist, axis=0, keepdims=True)
        a_c = jnp.min(jnp.where(dist == m_c, row_f, float(CK)),
                      axis=0, keepdims=True) + float(c * CK)
        if m is None:
            m, arg = m_c, a_c
        else:
            better = m_c < m
            arg = jnp.where(better, a_c, arg)
            m = jnp.where(better, m_c, m)

    inds_ref[...] = arg.astype(jnp.int32)[None]
    total = jnp.where(i == 0, 0.0, acc_s[0, 0]) + jnp.sum(m)
    acc_s[0, 0] = total

    @pl.when(i == GRID_I - 1)
    def _():
        loss_ref[0, 0] = total * LOSS_SCALE


def _tc_call_kwargs():
    return dict(
        grid=(GRID_I,),
        in_specs=[
            pl.BlockSpec((TN, D), lambda i: (i, 0)),
            pl.BlockSpec((K, D), lambda i: (0, 0)),
            pl.BlockSpec((1, TN), lambda i: (0, i)),
            pl.BlockSpec((K, 1), lambda i: (0, 0)),
        ],
        out_specs=[
            pl.BlockSpec((1, 1, TN), lambda i: (i, 0, 0)),
            pl.BlockSpec((1, 1), lambda i: (0, 0),
                         memory_space=pltpu.SMEM),
        ],
        out_shape=[
            jax.ShapeDtypeStruct((GRID_I, 1, TN), jnp.int32),
            jax.ShapeDtypeStruct((1, 1), jnp.float32),
        ],
        scratch_shapes=[
            pltpu.SMEM((1, 1), jnp.float32),
        ],
    )


def _codebook_gather(embedding, idx3):
    info = plsc.get_sparse_core_info()
    nw = info.num_cores * info.num_subcores
    chunks = N // (nw * CH)
    mesh = plsc.VectorSubcoreMesh(core_axis_name="c", subcore_axis_name="s")

    @functools.partial(
        pl.kernel,
        out_type=jax.ShapeDtypeStruct((N, D), jnp.float32),
        mesh=mesh,
        scratch_types=[
            pltpu.VMEM((chunks, CH), jnp.int32),
            pltpu.VMEM((chunks, CH, D), jnp.float32),
            pltpu.SemaphoreType.DMA,
        ],
    )
    def gather_kernel(table_hbm, idx_hbm, out_hbm, idx_v, rows_v, sem):
        wid = lax.axis_index("s") * info.num_cores + lax.axis_index("c")
        base = wid * (chunks * CH)
        pltpu.sync_copy(idx_hbm.at[wid], idx_v)
        handles = [
            pltpu.async_copy(table_hbm.at[idx_v.at[c]], rows_v.at[c], sem)
            for c in range(chunks)
        ]
        for h in handles:
            h.wait()
        for c in range(chunks):
            pltpu.sync_copy(rows_v.at[c], out_hbm.at[pl.ds(base + c * CH, CH)])

    return gather_kernel(embedding, idx3)


def kernel(latents, embedding):
    flat = latents.reshape(N, D)
    l2 = jnp.sum(flat ** 2, axis=1).reshape(1, N)
    e2 = jnp.sum(embedding ** 2, axis=1).reshape(K, 1)
    inds, loss = pl.pallas_call(_vq_dist_body, **_tc_call_kwargs())(
        flat, embedding, l2, e2)
    info = plsc.get_sparse_core_info()
    nw = info.num_cores * info.num_subcores
    idx3 = inds.reshape(nw, N // (nw * CH), CH)
    quantized = _codebook_gather(embedding, idx3)
    return quantized.reshape(latents.shape), loss[0, 0]

# --- scband reference (transcript-rebuilt; emitter-appended) ---
"""Pipeline reference for scband-vector-quantizer-38147899523219 (READ-ONLY COPY).

The authoritative reference and input builder live on the scoring server;
editing this copy changes nothing except your own understanding.
"""

import jax, jax.numpy as jnp
import numpy as np

K = 8192
D = 256
BETA = 0.25

def setup_inputs(seed: int = 0) -> dict:
    key = jax.random.key(seed)
    k1, k2 = jax.random.split(key)
    latents = jax.random.normal(k1, (8, 1024, D), dtype=jnp.float32)
    embedding = jax.random.uniform(k2, (K, D), dtype=jnp.float32, minval=-1.0 / K, maxval=1.0 / K)
    return {"latents": latents, "embedding": embedding}

def reference(latents, embedding):
    latents_shape = latents.shape
    flat_latents = latents.reshape(-1, D)
    dist = (jnp.sum(flat_latents ** 2, axis=1, keepdims=True)
            + jnp.sum(embedding ** 2, axis=1)
            - 2.0 * jnp.matmul(flat_latents, embedding.T))
    encoding_inds = jnp.argmin(dist, axis=1)
    # channel simulation (commun_sim) omitted: non-differentiable integer-index
    # noise injection via undefined QAM/AWGN helpers; identity pass-through.
    encoding_one_hot = jax.nn.one_hot(encoding_inds, K, dtype=jnp.float32)
    quantized_latents = jnp.matmul(encoding_one_hot, embedding)
    quantized_latents = quantized_latents.reshape(latents_shape)
    commitment_loss = jnp.mean((jax.lax.stop_gradient(quantized_latents) - latents) ** 2)
    embedding_loss = jnp.mean((quantized_latents - jax.lax.stop_gradient(latents)) ** 2)
    vq_loss = commitment_loss * BETA + embedding_loss
    quantized_st = latents + jax.lax.stop_gradient(quantized_latents - latents)
    return (quantized_st, vq_loss)

if __name__ == "__main__":
    import jax
    _d = setup_inputs()
    print(jax.jit(kernel)(*tuple(_d.values())))

</pallas_src>

<mosaic_0001>
#map = affine_map<(d0, d1) -> (0, 0)>
#map1 = affine_map<(d0, d1) -> (0, 0, 0)>
module attributes {stable_mosaic.version = 14 : i64} {
  func.func @gather_kernel(%arg0: i32, %arg1: i32, %arg2: memref<8192x256xf32, #tpu.memory_space<hbm>>, %arg3: memref<32x2x128xi32, #tpu.memory_space<hbm>>, %arg4: memref<8192x256xf32, #tpu.memory_space<hbm>>, %arg5: memref<2x128xi32, #tpu.memory_space<vmem>>, %arg6: memref<2x128x256xf32, #tpu.memory_space<vmem>>, %arg7: memref<!tpu.dma_semaphore, #tpu.memory_space<semaphore_mem>>) attributes {dimension_semantics = [#tpu.dimension_semantics<core_parallel>, #tpu.dimension_semantics<subcore_parallel>], iteration_bounds = array<i64: 2, 16>, scalar_prefetch = 0 : i64, scratch_operands = 3 : i64, tpu.core_type = #tpu.core_type<sc_vector_subcore>, window_params = [{transform_indices = #map}, {transform_indices = #map1}, {transform_indices = #map}]} {
    %mul3A = arith.constant 2 : i32
    %mul3A_0 = arith.muli %arg1, %mul3A : i32
    %add3A = arith.addi %mul3A_0, %arg0 : i32
    %mul3A_1 = arith.constant 256 : i32
    %mul3A_2 = arith.muli %add3A, %mul3A_1 : i32
    "tpu.region"() ({
      %run_scoped3A_54 = tpu.sem_alloc : memref<!tpu.dma_semaphore, #tpu.memory_space<semaphore_mem>>
      %dma_start3A_55 = arith.constant 0 : i32
      %dma_start3A_56 = arith.constant 0 : i32
      %dma_start3A_57 = tpu.memref_slice %arg3[%add3A, %dma_start3A_55, %dma_start3A_56] : memref<32x2x128xi32, #tpu.memory_space<hbm>> -> memref<1x2x128xi32, #tpu.memory_space<hbm>>
      %dma_start3A_58 = tpu.memref_squeeze %dma_start3A_57 : memref<1x2x128xi32, #tpu.memory_space<hbm>> -> memref<2x128xi32, #tpu.memory_space<hbm>>
      %dma_start3A_59 = arith.constant 0 : i32
      %dma_start3A_60 = arith.constant 0 : i32
      %dma_start3A_61 = tpu.memref_slice %arg3[%add3A, %dma_start3A_59, %dma_start3A_60] : memref<32x2x128xi32, #tpu.memory_space<hbm>> -> memref<1x2x128xi32, #tpu.memory_space<hbm>>
      %dma_start3A_62 = tpu.memref_squeeze %dma_start3A_61 : memref<1x2x128xi32, #tpu.memory_space<hbm>> -> memref<2x128xi32, #tpu.memory_space<hbm>>
      tpu.enqueue_dma source(%dma_start3A_62 : memref<2x128xi32, #tpu.memory_space<hbm>>) target(%arg5 : memref<2x128xi32, #tpu.memory_space<vmem>>) target_semaphore(%run_scoped3A_54 : memref<!tpu.dma_semaphore, #tpu.memory_space<semaphore_mem>>)
      %dma_wait3A_63 = arith.constant 0 : i32
      %dma_wait3A_64 = arith.constant 0 : i32
      %dma_wait3A_65 = tpu.memref_slice %arg3[%add3A, %dma_wait3A_63, %dma_wait3A_64] : memref<32x2x128xi32, #tpu.memory_space<hbm>> -> memref<1x2x128xi32, #tpu.memory_space<hbm>>
      %dma_wait3A_66 = tpu.memref_squeeze %dma_wait3A_65 : memref<1x2x128xi32, #tpu.memory_space<hbm>> -> memref<2x128xi32, #tpu.memory_space<hbm>>
      %dma_wait3A_67 = arith.constant 0 : i32
      %dma_wait3A_68 = arith.constant 0 : i32
      %dma_wait3A_69 = tpu.memref_slice %arg3[%add3A, %dma_wait3A_67, %dma_wait3A_68] : memref<32x2x128xi32, #tpu.memory_space<hbm>> -> memref<1x2x128xi32, #tpu.memory_space<hbm>>
      %dma_wait3A_70 = tpu.memref_squeeze %dma_wait3A_69 : memref<1x2x128xi32, #tpu.memory_space<hbm>> -> memref<2x128xi32, #tpu.memory_space<hbm>>
      tpu.wait_dma2 semaphore(%run_scoped3A_54 : memref<!tpu.dma_semaphore, #tpu.memory_space<semaphore_mem>>) src(%dma_wait3A_70 : memref<2x128xi32, #tpu.memory_space<hbm>>) dst(%arg5 : memref<2x128xi32, #tpu.memory_space<vmem>>)
      tpu.yield
    }) : () -> ()
    %dma_start3A = arith.constant 0 : i32
    %dma_start3A_3 = arith.constant 0 : i32
    %dma_start3A_4 = arith.constant 0 : i32
    %dma_start3A_5 = arith.constant 0 : i32
    %dma_start3A_6 = tpu.memref_slice %arg6[%dma_start3A_3, %dma_start3A_4, %dma_start3A_5] : memref<2x128x256xf32, #tpu.memory_space<vmem>> -> memref<1x128x256xf32, #tpu.memory_space<vmem>>
    %dma_start3A_7 = tpu.memref_squeeze %dma_start3A_6 : memref<1x128x256xf32, #tpu.memory_space<vmem>> -> memref<128x256xf32, #tpu.memory_space<vmem>>
    %dma_start3A_8 = arith.constant 0 : i32
    %dma_start3A_9 = tpu.memref_slice %arg5[%dma_start3A, %dma_start3A_8] : memref<2x128xi32, #tpu.memory_space<vmem>> -> memref<1x128xi32, #tpu.memory_space<vmem>>
    %dma_start3A_10 = tpu.memref_squeeze %dma_start3A_9 : memref<1x128xi32, #tpu.memory_space<vmem>> -> memref<128xi32, #tpu.memory_space<vmem>>
    %dma_start3A_11 = arith.constant 0 : i32
    %dma_start3A_12 = arith.constant 0 : i32
    %dma_start3A_13 = tpu.memref_slice %arg2[%dma_start3A_11, %dma_start3A_12] : memref<8192x256xf32, #tpu.memory_space<hbm>> -> memref<8192x256xf32, #tpu.memory_space<hbm>>
    tpu.enqueue_indirect_dma source(%dma_start3A_13 : memref<8192x256xf32, #tpu.memory_space<hbm>>) target(%dma_start3A_7 : memref<128x256xf32, #tpu.memory_space<vmem>>) offsets(%dma_start3A_10 : memref<128xi32, #tpu.memory_space<vmem>>) semaphore(%arg7 : memref<!tpu.dma_semaphore, #tpu.memory_space<semaphore_mem>>)
    %dma_start3A_14 = arith.constant 1 : i32
    %dma_start3A_15 = arith.constant 1 : i32
    %dma_start3A_16 = arith.constant 0 : i32
    %dma_start3A_17 = arith.constant 0 : i32
    %dma_start3A_18 = tpu.memref_slice %arg6[%dma_start3A_15, %dma_start3A_16, %dma_start3A_17] : memref<2x128x256xf32, #tpu.memory_space<vmem>> -> memref<1x128x256xf32, #tpu.memory_space<vmem>>
    %dma_start3A_19 = tpu.memref_squeeze %dma_start3A_18 : memref<1x128x256xf32, #tpu.memory_space<vmem>> -> memref<128x256xf32, #tpu.memory_space<vmem>>
    %dma_start3A_20 = arith.constant 0 : i32
    %dma_start3A_21 = tpu.memref_slice %arg5[%dma_start3A_14, %dma_start3A_20] : memref<2x128xi32, #tpu.memory_space<vmem>> -> memref<1x128xi32, #tpu.memory_space<vmem>>
    %dma_start3A_22 = tpu.memref_squeeze %dma_start3A_21 : memref<1x128xi32, #tpu.memory_space<vmem>> -> memref<128xi32, #tpu.memory_space<vmem>>
    %dma_start3A_23 = arith.constant 0 : i32
    %dma_start3A_24 = arith.constant 0 : i32
    %dma_start3A_25 = tpu.memref_slice %arg2[%dma_start3A_23, %dma_start3A_24] : memref<8192x256xf32, #tpu.memory_space<hbm>> -> memref<8192x256xf32, #tpu.memory_space<hbm>>
    tpu.enqueue_indirect_dma source(%dma_start3A_25 : memref<8192x256xf32, #tpu.memory_space<hbm>>) target(%dma_start3A_19 : memref<128x256xf32, #tpu.memory_space<vmem>>) offsets(%dma_start3A_22 : memref<128xi32, #tpu.memory_space<vmem>>) semaphore(%arg7 : memref<!tpu.dma_semaphore, #tpu.memory_space<semaphore_mem>>)
    %dma_wait3A = arith.constant 0 : i32
    %dma_wait3A_26 = arith.constant 0 : i32
    %dma_wait3A_27 = arith.constant 0 : i32
    %dma_wait3A_28 = arith.constant 0 : i32
    %dma_wait3A_29 = tpu.memref_slice %arg6[%dma_wait3A_26, %dma_wait3A_27, %dma_wait3A_28] : memref<2x128x256xf32, #tpu.memory_space<vmem>> -> memref<1x128x256xf32, #tpu.memory_space<vmem>>
    %dma_wait3A_30 = tpu.memref_squeeze %dma_wait3A_29 : memref<1x128x256xf32, #tpu.memory_space<vmem>> -> memref<128x256xf32, #tpu.memory_space<vmem>>
    %dma_wait3A_31 = arith.constant 0 : i32
    %dma_wait3A_32 = tpu.memref_slice %arg5[%dma_wait3A, %dma_wait3A_31] : memref<2x128xi32, #tpu.memory_space<vmem>> -> memref<1x128xi32, #tpu.memory_space<vmem>>
    %dma_wait3A_33 = tpu.memref_squeeze %dma_wait3A_32 : memref<1x128xi32, #tpu.memory_space<vmem>> -> memref<128xi32, #tpu.memory_space<vmem>>
    %dma_wait3A_34 = arith.constant 0 : i32
    %dma_wait3A_35 = arith.constant 0 : i32
    %dma_wait3A_36 = tpu.memref_slice %arg2[%dma_wait3A_34, %dma_wait3A_35] : memref<8192x256xf32, #tpu.memory_space<hbm>> -> memref<8192x256xf32, #tpu.memory_space<hbm>>
    tpu.wait_indirect_dma semaphore(%arg7 : memref<!tpu.dma_semaphore, #tpu.memory_space<semaphore_mem>>) src(%dma_wait3A_36 : memref<8192x256xf32, #tpu.memory_space<hbm>>) dst(%dma_wait3A_30 : memref<128x256xf32, #tpu.memory_space<vmem>>)
    %dma_wait3A_37 = arith.constant 1 : i32
    %dma_wait3A_38 = arith.constant 1 : i32
    %dma_wait3A_39 = arith.constant 0 : i32
    %dma_wait3A_40 = arith.constant 0 : i32
    %dma_wait3A_41 = tpu.memref_slice %arg6[%dma_wait3A_38, %dma_wait3A_39, %dma_wait3A_40] : memref<2x128x256xf32, #tpu.memory_space<vmem>> -> memref<1x128x256xf32, #tpu.memory_space<vmem>>
    %dma_wait3A_42 = tpu.memref_squeeze %dma_wait3A_41 : memref<1x128x256xf32, #tpu.memory_space<vmem>> -> memref<128x256xf32, #tpu.memory_space<vmem>>
    %dma_wait3A_43 = arith.constant 0 : i32
    %dma_wait3A_44 = tpu.memref_slice %arg5[%dma_wait3A_37, %dma_wait3A_43] : memref<2x128xi32, #tpu.memory_space<vmem>> -> memref<1x128xi32, #tpu.memory_space<vmem>>
    %dma_wait3A_45 = tpu.memref_squeeze %dma_wait3A_44 : memref<1x128xi32, #tpu.memory_space<vmem>> -> memref<128xi32, #tpu.memory_space<vmem>>
    %dma_wait3A_46 = arith.constant 0 : i32
    %dma_wait3A_47 = arith.constant 0 : i32
    %dma_wait3A_48 = tpu.memref_slice %arg2[%dma_wait3A_46, %dma_wait3A_47] : memref<8192x256xf32, #tpu.memory_space<hbm>> -> memref<8192x256xf32, #tpu.memory_space<hbm>>
    tpu.wait_indirect_dma semaphore(%arg7 : memref<!tpu.dma_semaphore, #tpu.memory_space<semaphore_mem>>) src(%dma_wait3A_48 : memref<8192x256xf32, #tpu.memory_space<hbm>>) dst(%dma_wait3A_42 : memref<128x256xf32, #tpu.memory_space<vmem>>)
    %add3A_49 = arith.constant 0 : i32
    %add3A_50 = arith.addi %mul3A_2, %add3A_49 : i32
    %run_scoped3A = arith.constant 0 : i32
    "tpu.region"() ({
      %run_scoped3A_54 = tpu.sem_alloc : memref<!tpu.dma_semaphore, #tpu.memory_space<semaphore_mem>>
      %dma_start3A_55 = arith.constant 0 : i32
      %dma_start3A_56 = arith.constant 0 : i32
      %dma_start3A_57 = tpu.memref_slice %arg6[%run_scoped3A, %dma_start3A_55, %dma_start3A_56] : memref<2x128x256xf32, #tpu.memory_space<vmem>> -> memref<1x128x256xf32, #tpu.memory_space<vmem>>
      %dma_start3A_58 = tpu.memref_squeeze %dma_start3A_57 : memref<1x128x256xf32, #tpu.memory_space<vmem>> -> memref<128x256xf32, #tpu.memory_space<vmem>>
      %dma_start3A_59 = arith.constant 0 : i32
      %dma_start3A_60 = tpu.memref_slice %arg4[%add3A_50, %dma_start3A_59] : memref<8192x256xf32, #tpu.memory_space<hbm>> -> memref<128x256xf32, #tpu.memory_space<hbm>>
      %dma_start3A_61 = arith.constant 0 : i32
      %dma_start3A_62 = tpu.memref_slice %arg4[%add3A_50, %dma_start3A_61] : memref<8192x256xf32, #tpu.memory_space<hbm>> -> memref<128x256xf32, #tpu.memory_space<hbm>>
      %dma_start3A_63 = arith.constant 0 : i32
      %dma_start3A_64 = arith.constant 0 : i32
      %dma_start3A_65 = tpu.memref_slice %arg6[%run_scoped3A, %dma_start3A_63, %dma_start3A_64] : memref<2x128x256xf32, #tpu.memory_space<vmem>> -> memref<1x128x256xf32, #tpu.memory_space<vmem>>
      %dma_start3A_66 = tpu.memref_squeeze %dma_start3A_65 : memref<1x128x256xf32, #tpu.memory_space<vmem>> -> memref<128x256xf32, #tpu.memory_space<vmem>>
      tpu.enqueue_dma source(%dma_start3A_66 : memref<128x256xf32, #tpu.memory_space<vmem>>) target(%dma_start3A_62 : memref<128x256xf32, #tpu.memory_space<hbm>>) target_semaphore(%run_scoped3A_54 : memref<!tpu.dma_semaphore, #tpu.memory_space<semaphore_mem>>)
      %dma_wait3A_67 = arith.constant 0 : i32
      %dma_wait3A_68 = arith.constant 0 : i32
      %dma_wait3A_69 = tpu.memref_slice %arg6[%run_scoped3A, %dma_wait3A_67, %dma_wait3A_68] : memref<2x128x256xf32, #tpu.memory_space<vmem>> -> memref<1x128x256xf32, #tpu.memory_space<vmem>>
      %dma_wait3A_70 = tpu.memref_squeeze %dma_wait3A_69 : memref<1x128x256xf32, #tpu.memory_space<vmem>> -> memref<128x256xf32, #tpu.memory_space<vmem>>
      %dma_wait3A_71 = arith.constant 0 : i32
      %dma_wait3A_72 = tpu.memref_slice %arg4[%add3A_50, %dma_wait3A_71] : memref<8192x256xf32, #tpu.memory_space<hbm>> -> memref<128x256xf32, #tpu.memory_space<hbm>>
      %dma_wait3A_73 = arith.constant 0 : i32
      %dma_wait3A_74 = tpu.memref_slice %arg4[%add3A_50, %dma_wait3A_73] : memref<8192x256xf32, #tpu.memory_space<hbm>> -> memref<128x256xf32, #tpu.memory_space<hbm>>
      %dma_wait3A_75 = arith.constant 0 : i32
      %dma_wait3A_76 = arith.constant 0 : i32
      %dma_wait3A_77 = tpu.memref_slice %arg6[%run_scoped3A, %dma_wait3A_75, %dma_wait3A_76] : memref<2x128x256xf32, #tpu.memory_space<vmem>> -> memref<1x128x256xf32, #tpu.memory_space<vmem>>
      %dma_wait3A_78 = tpu.memref_squeeze %dma_wait3A_77 : memref<1x128x256xf32, #tpu.memory_space<vmem>> -> memref<128x256xf32, #tpu.memory_space<vmem>>
      tpu.wait_dma2 semaphore(%run_scoped3A_54 : memref<!tpu.dma_semaphore, #tpu.memory_space<semaphore_mem>>) src(%dma_wait3A_78 : memref<128x256xf32, #tpu.memory_space<vmem>>) dst(%dma_wait3A_74 : memref<128x256xf32, #tpu.memory_space<hbm>>)
      tpu.yield
    }) : () -> ()
    %add3A_51 = arith.constant 128 : i32
    %add3A_52 = arith.addi %mul3A_2, %add3A_51 : i32
    %run_scoped3A_53 = arith.constant 1 : i32
    "tpu.region"() ({
      %run_scoped3A_54 = tpu.sem_alloc : memref<!tpu.dma_semaphore, #tpu.memory_space<semaphore_mem>>
      %dma_start3A_55 = arith.constant 0 : i32
      %dma_start3A_56 = arith.constant 0 : i32
      %dma_start3A_57 = tpu.memref_slice %arg6[%run_scoped3A_53, %dma_start3A_55, %dma_start3A_56] : memref<2x128x256xf32, #tpu.memory_space<vmem>> -> memref<1x128x256xf32, #tpu.memory_space<vmem>>
      %dma_start3A_58 = tpu.memref_squeeze %dma_start3A_57 : memref<1x128x256xf32, #tpu.memory_space<vmem>> -> memref<128x256xf32, #tpu.memory_space<vmem>>
      %dma_start3A_59 = arith.constant 0 : i32
      %dma_start3A_60 = tpu.memref_slice %arg4[%add3A_52, %dma_start3A_59] : memref<8192x256xf32, #tpu.memory_space<hbm>> -> memref<128x256xf32, #tpu.memory_space<hbm>>
      %dma_start3A_61 = arith.constant 0 : i32
      %dma_start3A_62 = tpu.memref_slice %arg4[%add3A_52, %dma_start3A_61] : memref<8192x256xf32, #tpu.memory_space<hbm>> -> memref<128x256xf32, #tpu.memory_space<hbm>>
      %dma_start3A_63 = arith.constant 0 : i32
      %dma_start3A_64 = arith.constant 0 : i32
      %dma_start3A_65 = tpu.memref_slice %arg6[%run_scoped3A_53, %dma_start3A_63, %dma_start3A_64] : memref<2x128x256xf32, #tpu.memory_space<vmem>> -> memref<1x128x256xf32, #tpu.memory_space<vmem>>
      %dma_start3A_66 = tpu.memref_squeeze %dma_start3A_65 : memref<1x128x256xf32, #tpu.memory_space<vmem>> -> memref<128x256xf32, #tpu.memory_space<vmem>>
      tpu.enqueue_dma source(%dma_start3A_66 : memref<128x256xf32, #tpu.memory_space<vmem>>) target(%dma_start3A_62 : memref<128x256xf32, #tpu.memory_space<hbm>>) target_semaphore(%run_scoped3A_54 : memref<!tpu.dma_semaphore, #tpu.memory_space<semaphore_mem>>)
      %dma_wait3A_67 = arith.constant 0 : i32
      %dma_wait3A_68 = arith.constant 0 : i32
      %dma_wait3A_69 = tpu.memref_slice %arg6[%run_scoped3A_53, %dma_wait3A_67, %dma_wait3A_68] : memref<2x128x256xf32, #tpu.memory_space<vmem>> -> memref<1x128x256xf32, #tpu.memory_space<vmem>>
      %dma_wait3A_70 = tpu.memref_squeeze %dma_wait3A_69 : memref<1x128x256xf32, #tpu.memory_space<vmem>> -> memref<128x256xf32, #tpu.memory_space<vmem>>
      %dma_wait3A_71 = arith.constant 0 : i32
      %dma_wait3A_72 = tpu.memref_slice %arg4[%add3A_52, %dma_wait3A_71] : memref<8192x256xf32, #tpu.memory_space<hbm>> -> memref<128x256xf32, #tpu.memory_space<hbm>>
      %dma_wait3A_73 = arith.constant 0 : i32
      %dma_wait3A_74 = tpu.memref_slice %arg4[%add3A_52, %dma_wait3A_73] : memref<8192x256xf32, #tpu.memory_space<hbm>> -> memref<128x256xf32, #tpu.memory_space<hbm>>
      %dma_wait3A_75 = arith.constant 0 : i32
      %dma_wait3A_76 = arith.constant 0 : i32
      %dma_wait3A_77 = tpu.memref_slice %arg6[%run_scoped3A_53, %dma_wait3A_75, %dma_wait3A_76] : memref<2x128x256xf32, #tpu.memory_space<vmem>> -> memref<1x128x256xf32, #tpu.memory_space<vmem>>
      %dma_wait3A_78 = tpu.memref_squeeze %dma_wait3A_77 : memref<1x128x256xf32, #tpu.memory_space<vmem>> -> memref<128x256xf32, #tpu.memory_space<vmem>>
      tpu.wait_dma2 semaphore(%run_scoped3A_54 : memref<!tpu.dma_semaphore, #tpu.memory_space<semaphore_mem>>) src(%dma_wait3A_78 : memref<128x256xf32, #tpu.memory_space<vmem>>) dst(%dma_wait3A_74 : memref<128x256xf32, #tpu.memory_space<hbm>>)
      tpu.yield
    }) : () -> ()
    return
  }
}

module attributes {stable_mosaic.version = 14 : i64} {
  func.func @_vq_dist_body(%arg0: i32, %arg1: memref<1024x256xf32, #tpu.memory_space<vmem>>, %arg2: memref<8192x256xf32, #tpu.memory_space<vmem>>, %arg3: memref<1x1024xf32, #tpu.memory_space<vmem>>, %arg4: memref<8192x1xf32, #tpu.memory_space<vmem>>, %arg5: memref<1x1x1024xi32, #tpu.memory_space<vmem>>, %arg6: memref<1x1xf32, #tpu.memory_space<smem>>, %arg7: memref<1x1xf32, #tpu.memory_space<smem>>) attributes {dimension_semantics = [#tpu.dimension_semantics<arbitrary>], iteration_bounds = array<i64: 8>, scalar_prefetch = 0 : i64, scratch_operands = 1 : i64, tpu.core_type = #tpu.core_type<tc>, window_params = [{transform_indices = @transform_0, window_bounds = array<i64: 1024, 256>}, {pipeline_mode = #tpu.pipeline_mode<synchronous>, transform_indices = @transform_1, window_bounds = array<i64: 8192, 256>}, {transform_indices = @transform_2, window_bounds = array<i64: 1, 1024>}, {pipeline_mode = #tpu.pipeline_mode<synchronous>, transform_indices = @transform_3, window_bounds = array<i64: 8192, 1>}, {transform_indices = @transform_4, window_bounds = array<i64: 1, 1, 1024>}, {transform_indices = @transform_5, window_bounds = array<i64: 1, 1>}]} {
    %get3A = arith.constant 0 : index
    %get3A_0 = arith.constant 0 : index
    %get3A_1 = vector.load %arg1[%get3A, %get3A_0] : memref<1024x256xf32, #tpu.memory_space<vmem>>, vector<1024x256xf32>
    %get3A_2 = arith.constant 0 : index
    %get3A_3 = arith.constant 0 : index
    %get3A_4 = vector.load %arg3[%get3A_2, %get3A_3] : memref<1x1024xf32, #tpu.memory_space<vmem>>, vector<1x1024xf32>
    %iota3A = tpu.iota {dimensions = array<i32: 0>} : vector<1024x1024xi32>
    %convert_element_type3A = arith.sitofp %iota3A : vector<1024x1024xi32> to vector<1024x1024xf32>
    %add3A = arith.addf %get3A_1, %get3A_1 : vector<1024x256xf32>
    %get3A_5 = arith.constant 0 : index
    %get3A_6 = arith.constant 0 : index
    %get3A_7 = vector.load %arg2[%get3A_5, %get3A_6] : memref<8192x256xf32, #tpu.memory_space<vmem>>, vector<1024x256xf32>
    %dot_general3A = arith.constant dense<0.000000e+00> : vector<1024x1024xf32>
    %dot_general3A_8 = tpu.matmul %get3A_7, %add3A, %dot_general3A {dimension_numbers = #tpu.dot_dimension_numbers<[1], [1], [0], [0], [0, 0, 1, 0], [], []>, transpose_lhs_hint = false} : vector<1024x256xf32>, vector<1024x256xf32>, vector<1024x1024xf32> -> vector<1024x1024xf32>
    %get3A_9 = arith.constant 0 : index
    %get3A_10 = arith.constant 0 : index
    %get3A_11 = vector.load %arg4[%get3A_9, %get3A_10] : memref<8192x1xf32, #tpu.memory_space<vmem>>, vector<1024x1xf32>
    %add3A_12 = vector.broadcast %get3A_4 : vector<1x1024xf32> to vector<1024x1024xf32>
    %add3A_13 = vector.broadcast %get3A_11 : vector<1024x1xf32> to vector<1024x1024xf32>
    %add3A_14 = arith.addf %add3A_12, %add3A_13 : vector<1024x1024xf32>
    %sub3A = arith.subf %add3A_14, %dot_general3A_8 : vector<1024x1024xf32>
    %reduce_min3A = arith.constant dense<0x7F800000> : vector<1024xf32>
    %reduce_min3A_15 = vector.multi_reduction <minimumf>, %sub3A, %reduce_min3A [0] : vector<1024x1024xf32> to vector<1024xf32>
    %broadcast_in_dim3A = vector.shape_cast %reduce_min3A_15 : vector<1024xf32> to vector<1x1024xf32>
    %eq3A = vector.broadcast %broadcast_in_dim3A : vector<1x1024xf32> to vector<1024x1024xf32>
    %eq3A_16 = arith.cmpf oeq, %sub3A, %eq3A : vector<1024x1024xf32>
    %jit3A = arith.constant 1.024000e+03 : f32
    %broadcast_in_dim3A_17 = vector.broadcast %jit3A : f32 to vector<1024x1024xf32>
    %select_n3A = arith.select %eq3A_16, %convert_element_type3A, %broadcast_in_dim3A_17 : vector<1024x1024xi1>, vector<1024x1024xf32>
    %reduce_min3A_18 = arith.constant dense<0x7F800000> : vector<1024xf32>
    %reduce_min3A_19 = vector.multi_reduction <minimumf>, %select_n3A, %reduce_min3A_18 [0] : vector<1024x1024xf32> to vector<1024xf32>
    %broadcast_in_dim3A_20 = vector.shape_cast %reduce_min3A_19 : vector<1024xf32> to vector<1x1024xf32>
    %add3A_21 = arith.constant 0.000000e+00 : f32
    %add3A_22 = vector.broadcast %add3A_21 : f32 to vector<1x1024xf32>
    %add3A_23 = arith.addf %broadcast_in_dim3A_20, %add3A_22 : vector<1x1024xf32>
    %get3A_24 = arith.constant 1024 : index
    %get3A_25 = arith.constant 0 : index
    %get3A_26 = vector.load %arg2[%get3A_24, %get3A_25] : memref<8192x256xf32, #tpu.memory_space<vmem>>, vector<1024x256xf32>
    %dot_general3A_27 = arith.constant dense<0.000000e+00> : vector<1024x1024xf32>
    %dot_general3A_28 = tpu.matmul %get3A_26, %add3A, %dot_general3A_27 {dimension_numbers = #tpu.dot_dimension_numbers<[1], [1], [0], [0], [0, 0, 1, 0], [], []>, transpose_lhs_hint = false} : vector<1024x256xf32>, vector<1024x256xf32>, vector<1024x1024xf32> -> vector<1024x1024xf32>
    %get3A_29 = arith.constant 1024 : index
    %get3A_30 = arith.constant 0 : index
    %get3A_31 = vector.load %arg4[%get3A_29, %get3A_30] : memref<8192x1xf32, #tpu.memory_space<vmem>>, vector<1024x1xf32>
    %add3A_32 = vector.broadcast %get3A_4 : vector<1x1024xf32> to vector<1024x1024xf32>
    %add3A_33 = vector.broadcast %get3A_31 : vector<1024x1xf32> to vector<1024x1024xf32>
    %add3A_34 = arith.addf %add3A_32, %add3A_33 : vector<1024x1024xf32>
    %sub3A_35 = arith.subf %add3A_34, %dot_general3A_28 : vector<1024x1024xf32>
    %reduce_min3A_36 = arith.constant dense<0x7F800000> : vector<1024xf32>
    %reduce_min3A_37 = vector.multi_reduction <minimumf>, %sub3A_35, %reduce_min3A_36 [0] : vector<1024x1024xf32> to vector<1024xf32>
    %broadcast_in_dim3A_38 = vector.shape_cast %reduce_min3A_37 : vector<1024xf32> to vector<1x1024xf32>
    %eq3A_39 = vector.broadcast %broadcast_in_dim3A_38 : vector<1x1024xf32> to vector<1024x1024xf32>
    %eq3A_40 = arith.cmpf oeq, %sub3A_35, %eq3A_39 : vector<1024x1024xf32>
    %jit3A_41 = arith.constant 1.024000e+03 : f32
    %broadcast_in_dim3A_42 = vector.broadcast %jit3A_41 : f32 to vector<1024x1024xf32>
    %select_n3A_43 = arith.select %eq3A_40, %convert_element_type3A, %broadcast_in_dim3A_42 : vector<1024x1024xi1>, vector<1024x1024xf32>
    %reduce_min3A_44 = arith.constant dense<0x7F800000> : vector<1024xf32>
    %reduce_min3A_45 = vector.multi_reduction <minimumf>, %select_n3A_43, %reduce_min3A_44 [0] : vector<1024x1024xf32> to vector<1024xf32>
    %broadcast_in_dim3A_46 = vector.shape_cast %reduce_min3A_45 : vector<1024xf32> to vector<1x1024xf32>
    %add3A_47 = arith.constant 1.024000e+03 : f32
    %add3A_48 = vector.broadcast %add3A_47 : f32 to vector<1x1024xf32>
    %add3A_49 = arith.addf %broadcast_in_dim3A_46, %add3A_48 : vector<1x1024xf32>
    %lt3A = arith.cmpf olt, %broadcast_in_dim3A_38, %broadcast_in_dim3A : vector<1x1024xf32>
    %select_n3A_50 = arith.select %lt3A, %add3A_49, %add3A_23 : vector<1x1024xi1>, vector<1x1024xf32>
    %select_n3A_51 = arith.select %lt3A, %broadcast_in_dim3A_38, %broadcast_in_dim3A : vector<1x1024xi1>, vector<1x1024xf32>
    %get3A_52 = arith.constant 2048 : index
    %get3A_53 = arith.constant 0 : index
    %get3A_54 = vector.load %arg2[%get3A_52, %get3A_53] : memref<8192x256xf32, #tpu.memory_space<vmem>>, vector<1024x256xf32>
    %dot_general3A_55 = arith.constant dense<0.000000e+00> : vector<1024x1024xf32>
    %dot_general3A_56 = tpu.matmul %get3A_54, %add3A, %dot_general3A_55 {dimension_numbers = #tpu.dot_dimension_numbers<[1], [1], [0], [0], [0, 0, 1, 0], [], []>, transpose_lhs_hint = false} : vector<1024x256xf32>, vector<1024x256xf32>, vector<1024x1024xf32> -> vector<1024x1024xf32>
    %get3A_57 = arith.constant 2048 : index
    %get3A_58 = arith.constant 0 : index
    %get3A_59 = vector.load %arg4[%get3A_57, %get3A_58] : memref<8192x1xf32, #tpu.memory_space<vmem>>, vector<1024x1xf32>
    %add3A_60 = vector.broadcast %get3A_4 : vector<1x1024xf32> to vector<1024x1024xf32>
    %add3A_61 = vector.broadcast %get3A_59 : vector<1024x1xf32> to vector<1024x1024xf32>
    %add3A_62 = arith.addf %add3A_60, %add3A_61 : vector<1024x1024xf32>
    %sub3A_63 = arith.subf %add3A_62, %dot_general3A_56 : vector<1024x1024xf32>
    %reduce_min3A_64 = arith.constant dense<0x7F800000> : vector<1024xf32>
    %reduce_min3A_65 = vector.multi_reduction <minimumf>, %sub3A_63, %reduce_min3A_64 [0] : vector<1024x1024xf32> to vector<1024xf32>
    %broadcast_in_dim3A_66 = vector.shape_cast %reduce_min3A_65 : vector<1024xf32> to vector<1x1024xf32>
    %eq3A_67 = vector.broadcast %broadcast_in_dim3A_66 : vector<1x1024xf32> to vector<1024x1024xf32>
    %eq3A_68 = arith.cmpf oeq, %sub3A_63, %eq3A_67 : vector<1024x1024xf32>
    %jit3A_69 = arith.constant 1.024000e+03 : f32
    %broadcast_in_dim3A_70 = vector.broadcast %jit3A_69 : f32 to vector<1024x1024xf32>
    %select_n3A_71 = arith.select %eq3A_68, %convert_element_type3A, %broadcast_in_dim3A_70 : vector<1024x1024xi1>, vector<1024x1024xf32>
    %reduce_min3A_72 = arith.constant dense<0x7F800000> : vector<1024xf32>
    %reduce_min3A_73 = vector.multi_reduction <minimumf>, %select_n3A_71, %reduce_min3A_72 [0] : vector<1024x1024xf32> to vector<1024xf32>
    %broadcast_in_dim3A_74 = vector.shape_cast %reduce_min3A_73 : vector<1024xf32> to vector<1x1024xf32>
    %add3A_75 = arith.constant 2.048000e+03 : f32
    %add3A_76 = vector.broadcast %add3A_75 : f32 to vector<1x1024xf32>
    %add3A_77 = arith.addf %broadcast_in_dim3A_74, %add3A_76 : vector<1x1024xf32>
    %lt3A_78 = arith.cmpf olt, %broadcast_in_dim3A_66, %select_n3A_51 : vector<1x1024xf32>
    %select_n3A_79 = arith.select %lt3A_78, %add3A_77, %select_n3A_50 : vector<1x1024xi1>, vector<1x1024xf32>
    %select_n3A_80 = arith.select %lt3A_78, %broadcast_in_dim3A_66, %select_n3A_51 : vector<1x1024xi1>, vector<1x1024xf32>
    %get3A_81 = arith.constant 3072 : index
    %get3A_82 = arith.constant 0 : index
    %get3A_83 = vector.load %arg2[%get3A_81, %get3A_82] : memref<8192x256xf32, #tpu.memory_space<vmem>>, vector<1024x256xf32>
    %dot_general3A_84 = arith.constant dense<0.000000e+00> : vector<1024x1024xf32>
    %dot_general3A_85 = tpu.matmul %get3A_83, %add3A, %dot_general3A_84 {dimension_numbers = #tpu.dot_dimension_numbers<[1], [1], [0], [0], [0, 0, 1, 0], [], []>, transpose_lhs_hint = false} : vector<1024x256xf32>, vector<1024x256xf32>, vector<1024x1024xf32> -> vector<1024x1024xf32>
    %get3A_86 = arith.constant 3072 : index
    %get3A_87 = arith.constant 0 : index
    %get3A_88 = vector.load %arg4[%get3A_86, %get3A_87] : memref<8192x1xf32, #tpu.memory_space<vmem>>, vector<1024x1xf32>
    %add3A_89 = vector.broadcast %get3A_4 : vector<1x1024xf32> to vector<1024x1024xf32>
    %add3A_90 = vector.broadcast %get3A_88 : vector<1024x1xf32> to vector<1024x1024xf32>
    %add3A_91 = arith.addf %add3A_89, %add3A_90 : vector<1024x1024xf32>
    %sub3A_92 = arith.subf %add3A_91, %dot_general3A_85 : vector<1024x1024xf32>
    %reduce_min3A_93 = arith.constant dense<0x7F800000> : vector<1024xf32>
    %reduce_min3A_94 = vector.multi_reduction <minimumf>, %sub3A_92, %reduce_min3A_93 [0] : vector<1024x1024xf32> to vector<1024xf32>
    %broadcast_in_dim3A_95 = vector.shape_cast %reduce_min3A_94 : vector<1024xf32> to vector<1x1024xf32>
    %eq3A_96 = vector.broadcast %broadcast_in_dim3A_95 : vector<1x1024xf32> to vector<1024x1024xf32>
    %eq3A_97 = arith.cmpf oeq, %sub3A_92, %eq3A_96 : vector<1024x1024xf32>
    %jit3A_98 = arith.constant 1.024000e+03 : f32
    %broadcast_in_dim3A_99 = vector.broadcast %jit3A_98 : f32 to vector<1024x1024xf32>
    %select_n3A_100 = arith.select %eq3A_97, %convert_element_type3A, %broadcast_in_dim3A_99 : vector<1024x1024xi1>, vector<1024x1024xf32>
    %reduce_min3A_101 = arith.constant dense<0x7F800000> : vector<1024xf32>
    %reduce_min3A_102 = vector.multi_reduction <minimumf>, %select_n3A_100, %reduce_min3A_101 [0] : vector<1024x1024xf32> to vector<1024xf32>
    %broadcast_in_dim3A_103 = vector.shape_cast %reduce_min3A_102 : vector<1024xf32> to vector<1x1024xf32>
    %add3A_104 = arith.constant 3.072000e+03 : f32
    %add3A_105 = vector.broadcast %add3A_104 : f32 to vector<1x1024xf32>
    %add3A_106 = arith.addf %broadcast_in_dim3A_103, %add3A_105 : vector<1x1024xf32>
    %lt3A_107 = arith.cmpf olt, %broadcast_in_dim3A_95, %select_n3A_80 : vector<1x1024xf32>
    %select_n3A_108 = arith.select %lt3A_107, %add3A_106, %select_n3A_79 : vector<1x1024xi1>, vector<1x1024xf32>
    %select_n3A_109 = arith.select %lt3A_107, %broadcast_in_dim3A_95, %select_n3A_80 : vector<1x1024xi1>, vector<1x1024xf32>
    %get3A_110 = arith.constant 4096 : index
    %get3A_111 = arith.constant 0 : index
    %get3A_112 = vector.load %arg2[%get3A_110, %get3A_111] : memref<8192x256xf32, #tpu.memory_space<vmem>>, vector<1024x256xf32>
    %dot_general3A_113 = arith.constant dense<0.000000e+00> : vector<1024x1024xf32>
    %dot_general3A_114 = tpu.matmul %get3A_112, %add3A, %dot_general3A_113 {dimension_numbers = #tpu.dot_dimension_numbers<[1], [1], [0], [0], [0, 0, 1, 0], [], []>, transpose_lhs_hint = false} : vector<1024x256xf32>, vector<1024x256xf32>, vector<1024x1024xf32> -> vector<1024x1024xf32>
    %get3A_115 = arith.constant 4096 : index
    %get3A_116 = arith.constant 0 : index
    %get3A_117 = vector.load %arg4[%get3A_115, %get3A_116] : memref<8192x1xf32, #tpu.memory_space<vmem>>, vector<1024x1xf32>
    %add3A_118 = vector.broadcast %get3A_4 : vector<1x1024xf32> to vector<1024x1024xf32>
    %add3A_119 = vector.broadcast %get3A_117 : vector<1024x1xf32> to vector<1024x1024xf32>
    %add3A_120 = arith.addf %add3A_118, %add3A_119 : vector<1024x1024xf32>
    %sub3A_121 = arith.subf %add3A_120, %dot_general3A_114 : vector<1024x1024xf32>
    %reduce_min3A_122 = arith.constant dense<0x7F800000> : vector<1024xf32>
    %reduce_min3A_123 = vector.multi_reduction <minimumf>, %sub3A_121, %reduce_min3A_122 [0] : vector<1024x1024xf32> to vector<1024xf32>
    %broadcast_in_dim3A_124 = vector.shape_cast %reduce_min3A_123 : vector<1024xf32> to vector<1x1024xf32>
    %eq3A_125 = vector.broadcast %broadcast_in_dim3A_124 : vector<1x1024xf32> to vector<1024x1024xf32>
    %eq3A_126 = arith.cmpf oeq, %sub3A_121, %eq3A_125 : vector<1024x1024xf32>
    %jit3A_127 = arith.constant 1.024000e+03 : f32
    %broadcast_in_dim3A_128 = vector.broadcast %jit3A_127 : f32 to vector<1024x1024xf32>
    %select_n3A_129 = arith.select %eq3A_126, %convert_element_type3A, %broadcast_in_dim3A_128 : vector<1024x1024xi1>, vector<1024x1024xf32>
    %reduce_min3A_130 = arith.constant dense<0x7F800000> : vector<1024xf32>
    %reduce_min3A_131 = vector.multi_reduction <minimumf>, %select_n3A_129, %reduce_min3A_130 [0] : vector<1024x1024xf32> to vector<1024xf32>
    %broadcast_in_dim3A_132 = vector.shape_cast %reduce_min3A_131 : vector<1024xf32> to vector<1x1024xf32>
    %add3A_133 = arith.constant 4.096000e+03 : f32
    %add3A_134 = vector.broadcast %add3A_133 : f32 to vector<1x1024xf32>
    %add3A_135 = arith.addf %broadcast_in_dim3A_132, %add3A_134 : vector<1x1024xf32>
    %lt3A_136 = arith.cmpf olt, %broadcast_in_dim3A_124, %select_n3A_109 : vector<1x1024xf32>
    %select_n3A_137 = arith.select %lt3A_136, %add3A_135, %select_n3A_108 : vector<1x1024xi1>, vector<1x1024xf32>
    %select_n3A_138 = arith.select %lt3A_136, %broadcast_in_dim3A_124, %select_n3A_109 : vector<1x1024xi1>, vector<1x1024xf32>
    %get3A_139 = arith.constant 5120 : index
    %get3A_140 = arith.constant 0 : index
    %get3A_141 = vector.load %arg2[%get3A_139, %get3A_140] : memref<8192x256xf32, #tpu.memory_space<vmem>>, vector<1024x256xf32>
    %dot_general3A_142 = arith.constant dense<0.000000e+00> : vector<1024x1024xf32>
    %dot_general3A_143 = tpu.matmul %get3A_141, %add3A, %dot_general3A_142 {dimension_numbers = #tpu.dot_dimension_numbers<[1], [1], [0], [0], [0, 0, 1, 0], [], []>, transpose_lhs_hint = false} : vector<1024x256xf32>, vector<1024x256xf32>, vector<1024x1024xf32> -> vector<1024x1024xf32>
    %get3A_144 = arith.constant 5120 : index
    %get3A_145 = arith.constant 0 : index
    %get3A_146 = vector.load %arg4[%get3A_144, %get3A_145] : memref<8192x1xf32, #tpu.memory_space<vmem>>, vector<1024x1xf32>
    %add3A_147 = vector.broadcast %get3A_4 : vector<1x1024xf32> to vector<1024x1024xf32>
    %add3A_148 = vector.broadcast %get3A_146 : vector<1024x1xf32> to vector<1024x1024xf32>
    %add3A_149 = arith.addf %add3A_147, %add3A_148 : vector<1024x1024xf32>
    %sub3A_150 = arith.subf %add3A_149, %dot_general3A_143 : vector<1024x1024xf32>
    %reduce_min3A_151 = arith.constant dense<0x7F800000> : vector<1024xf32>
    %reduce_min3A_152 = vector.multi_reduction <minimumf>, %sub3A_150, %reduce_min3A_151 [0] : vector<1024x1024xf32> to vector<1024xf32>
    %broadcast_in_dim3A_153 = vector.shape_cast %reduce_min3A_152 : vector<1024xf32> to vector<1x1024xf32>
    %eq3A_154 = vector.broadcast %broadcast_in_dim3A_153 : vector<1x1024xf32> to vector<1024x1024xf32>
    %eq3A_155 = arith.cmpf oeq, %sub3A_150, %eq3A_154 : vector<1024x1024xf32>
    %jit3A_156 = arith.constant 1.024000e+03 : f32
    %broadcast_in_dim3A_157 = vector.broadcast %jit3A_156 : f32 to vector<1024x1024xf32>
    %select_n3A_158 = arith.select %eq3A_155, %convert_element_type3A, %broadcast_in_dim3A_157 : vector<1024x1024xi1>, vector<1024x1024xf32>
    %reduce_min3A_159 = arith.constant dense<0x7F800000> : vector<1024xf32>
    %reduce_min3A_160 = vector.multi_reduction <minimumf>, %select_n3A_158, %reduce_min3A_159 [0] : vector<1024x1024xf32> to vector<1024xf32>
    %broadcast_in_dim3A_161 = vector.shape_cast %reduce_min3A_160 : vector<1024xf32> to vector<1x1024xf32>
    %add3A_162 = arith.constant 5.120000e+03 : f32
    %add3A_163 = vector.broadcast %add3A_162 : f32 to vector<1x1024xf32>
    %add3A_164 = arith.addf %broadcast_in_dim3A_161, %add3A_163 : vector<1x1024xf32>
    %lt3A_165 = arith.cmpf olt, %broadcast_in_dim3A_153, %select_n3A_138 : vector<1x1024xf32>
    %select_n3A_166 = arith.select %lt3A_165, %add3A_164, %select_n3A_137 : vector<1x1024xi1>, vector<1x1024xf32>
    %select_n3A_167 = arith.select %lt3A_165, %broadcast_in_dim3A_153, %select_n3A_138 : vector<1x1024xi1>, vector<1x1024xf32>
    %get3A_168 = arith.constant 6144 : index
    %get3A_169 = arith.constant 0 : index
    %get3A_170 = vector.load %arg2[%get3A_168, %get3A_169] : memref<8192x256xf32, #tpu.memory_space<vmem>>, vector<1024x256xf32>
    %dot_general3A_171 = arith.constant dense<0.000000e+00> : vector<1024x1024xf32>
    %dot_general3A_172 = tpu.matmul %get3A_170, %add3A, %dot_general3A_171 {dimension_numbers = #tpu.dot_dimension_numbers<[1], [1], [0], [0], [0, 0, 1, 0], [], []>, transpose_lhs_hint = false} : vector<1024x256xf32>, vector<1024x256xf32>, vector<1024x1024xf32> -> vector<1024x1024xf32>
    %get3A_173 = arith.constant 6144 : index
    %get3A_174 = arith.constant 0 : index
    %get3A_175 = vector.load %arg4[%get3A_173, %get3A_174] : memref<8192x1xf32, #tpu.memory_space<vmem>>, vector<1024x1xf32>
    %add3A_176 = vector.broadcast %get3A_4 : vector<1x1024xf32> to vector<1024x1024xf32>
    %add3A_177 = vector.broadcast %get3A_175 : vector<1024x1xf32> to vector<1024x1024xf32>
    %add3A_178 = arith.addf %add3A_176, %add3A_177 : vector<1024x1024xf32>
    %sub3A_179 = arith.subf %add3A_178, %dot_general3A_172 : vector<1024x1024xf32>
    %reduce_min3A_180 = arith.constant dense<0x7F800000> : vector<1024xf32>
    %reduce_min3A_181 = vector.multi_reduction <minimumf>, %sub3A_179, %reduce_min3A_180 [0] : vector<1024x1024xf32> to vector<1024xf32>
    %broadcast_in_dim3A_182 = vector.shape_cast %reduce_min3A_181 : vector<1024xf32> to vector<1x1024xf32>
    %eq3A_183 = vector.broadcast %broadcast_in_dim3A_182 : vector<1x1024xf32> to vector<1024x1024xf32>
    %eq3A_184 = arith.cmpf oeq, %sub3A_179, %eq3A_183 : vector<1024x1024xf32>
    %jit3A_185 = arith.constant 1.024000e+03 : f32
    %broadcast_in_dim3A_186 = vector.broadcast %jit3A_185 : f32 to vector<1024x1024xf32>
    %select_n3A_187 = arith.select %eq3A_184, %convert_element_type3A, %broadcast_in_dim3A_186 : vector<1024x1024xi1>, vector<1024x1024xf32>
    %reduce_min3A_188 = arith.constant dense<0x7F800000> : vector<1024xf32>
    %reduce_min3A_189 = vector.multi_reduction <minimumf>, %select_n3A_187, %reduce_min3A_188 [0] : vector<1024x1024xf32> to vector<1024xf32>
    %broadcast_in_dim3A_190 = vector.shape_cast %reduce_min3A_189 : vector<1024xf32> to vector<1x1024xf32>
    %add3A_191 = arith.constant 6.144000e+03 : f32
    %add3A_192 = vector.broadcast %add3A_191 : f32 to vector<1x1024xf32>
    %add3A_193 = arith.addf %broadcast_in_dim3A_190, %add3A_192 : vector<1x1024xf32>
    %lt3A_194 = arith.cmpf olt, %broadcast_in_dim3A_182, %select_n3A_167 : vector<1x1024xf32>
    %select_n3A_195 = arith.select %lt3A_194, %add3A_193, %select_n3A_166 : vector<1x1024xi1>, vector<1x1024xf32>
    %select_n3A_196 = arith.select %lt3A_194, %broadcast_in_dim3A_182, %select_n3A_167 : vector<1x1024xi1>, vector<1x1024xf32>
    %get3A_197 = arith.constant 7168 : index
    %get3A_198 = arith.constant 0 : index
    %get3A_199 = vector.load %arg2[%get3A_197, %get3A_198] : memref<8192x256xf32, #tpu.memory_space<vmem>>, vector<1024x256xf32>
    %dot_general3A_200 = arith.constant dense<0.000000e+00> : vector<1024x1024xf32>
    %dot_general3A_201 = tpu.matmul %get3A_199, %add3A, %dot_general3A_200 {dimension_numbers = #tpu.dot_dimension_numbers<[1], [1], [0], [0], [0, 0, 1, 0], [], []>, transpose_lhs_hint = false} : vector<1024x256xf32>, vector<1024x256xf32>, vector<1024x1024xf32> -> vector<1024x1024xf32>
    %get3A_202 = arith.constant 7168 : index
    %get3A_203 = arith.constant 0 : index
    %get3A_204 = vector.load %arg4[%get3A_202, %get3A_203] : memref<8192x1xf32, #tpu.memory_space<vmem>>, vector<1024x1xf32>
    %add3A_205 = vector.broadcast %get3A_4 : vector<1x1024xf32> to vector<1024x1024xf32>
    %add3A_206 = vector.broadcast %get3A_204 : vector<1024x1xf32> to vector<1024x1024xf32>
    %add3A_207 = arith.addf %add3A_205, %add3A_206 : vector<1024x1024xf32>
    %sub3A_208 = arith.subf %add3A_207, %dot_general3A_201 : vector<1024x1024xf32>
    %reduce_min3A_209 = arith.constant dense<0x7F800000> : vector<1024xf32>
    %reduce_min3A_210 = vector.multi_reduction <minimumf>, %sub3A_208, %reduce_min3A_209 [0] : vector<1024x1024xf32> to vector<1024xf32>
    %broadcast_in_dim3A_211 = vector.shape_cast %reduce_min3A_210 : vector<1024xf32> to vector<1x1024xf32>
    %eq3A_212 = vector.broadcast %broadcast_in_dim3A_211 : vector<1x1024xf32> to vector<1024x1024xf32>
    %eq3A_213 = arith.cmpf oeq, %sub3A_208, %eq3A_212 : vector<1024x1024xf32>
    %jit3A_214 = arith.constant 1.024000e+03 : f32
    %broadcast_in_dim3A_215 = vector.broadcast %jit3A_214 : f32 to vector<1024x1024xf32>
    %select_n3A_216 = arith.select %eq3A_213, %convert_element_type3A, %broadcast_in_dim3A_215 : vector<1024x1024xi1>, vector<1024x1024xf32>
    %reduce_min3A_217 = arith.constant dense<0x7F800000> : vector<1024xf32>
    %reduce_min3A_218 = vector.multi_reduction <minimumf>, %select_n3A_216, %reduce_min3A_217 [0] : vector<1024x1024xf32> to vector<1024xf32>
    %broadcast_in_dim3A_219 = vector.shape_cast %reduce_min3A_218 : vector<1024xf32> to vector<1x1024xf32>
    %add3A_220 = arith.constant 7.168000e+03 : f32
    %add3A_221 = vector.broadcast %add3A_220 : f32 to vector<1x1024xf32>
    %add3A_222 = arith.addf %broadcast_in_dim3A_219, %add3A_221 : vector<1x1024xf32>
    %lt3A_223 = arith.cmpf olt, %broadcast_in_dim3A_211, %select_n3A_196 : vector<1x1024xf32>
    %select_n3A_224 = arith.select %lt3A_223, %add3A_222, %select_n3A_195 : vector<1x1024xi1>, vector<1x1024xf32>
    %select_n3A_225 = arith.select %lt3A_223, %broadcast_in_dim3A_211, %select_n3A_196 : vector<1x1024xi1>, vector<1x1024xf32>
    %convert_element_type3A_226 = arith.fptosi %select_n3A_224 : vector<1x1024xf32> to vector<1x1024xi32>
    %broadcast_in_dim3A_227 = vector.shape_cast %convert_element_type3A_226 : vector<1x1024xi32> to vector<1x1x1024xi32>
    %swap3A = arith.constant 0 : index
    %swap3A_228 = arith.constant 0 : index
    %swap3A_229 = arith.constant 0 : index
    %swap3A_230 = vector.load %arg5[%swap3A, %swap3A_228, %swap3A_229] : memref<1x1x1024xi32, #tpu.memory_space<vmem>>, vector<1x1x1024xi32>
    tpu.vector_store %arg5[%swap3A, %swap3A_228, %swap3A_229], %broadcast_in_dim3A_227 {strides = array<i32>} : memref<1x1x1024xi32, #tpu.memory_space<vmem>>, vector<1x1x1024xi32>,
    %eq3A_231 = arith.constant 0 : i32
    %eq3A_232 = arith.cmpi eq, %arg0, %eq3A_231 : i32
    %get3A_233 = arith.constant 0 : index
    %get3A_234 = arith.constant 0 : index
    %get3A_235 = memref.load %arg7[%get3A_233, %get3A_234] : memref<1x1xf32, #tpu.memory_space<smem>>
    %jit3A_236 = arith.constant 0.000000e+00 : f32
    %select_n3A_237 = arith.select %eq3A_232, %jit3A_236, %get3A_235 : f32
    %reduce_sum3A = vector.shape_cast %select_n3A_225 : vector<1x1024xf32> to vector<1x1x1024xf32>
    %reduce_sum3A_238 = arith.constant dense<0.000000e+00> : vector<1xf32>
    %reduce_sum3A_239 = vector.multi_reduction <add>, %reduce_sum3A, %reduce_sum3A_238 [1, 2] : vector<1x1x1024xf32> to vector<1xf32>
    %reduce_sum3A_240 = vector.shape_cast %reduce_sum3A_239 : vector<1xf32> to vector<1x1x1xf32>
    %reduce_sum3A_241 = vector.extract %reduce_sum3A_240[0, 0, 0] : f32 from vector<1x1x1xf32>
    %add3A_242 = arith.addf %select_n3A_237, %reduce_sum3A_241 : f32
    %swap3A_243 = arith.constant 0 : index
    %swap3A_244 = arith.constant 0 : index
    %swap3A_245 = memref.load %arg7[%swap3A_243, %swap3A_244] : memref<1x1xf32, #tpu.memory_space<smem>>
    memref.store %add3A_242, %arg7[%swap3A_243, %swap3A_244] : memref<1x1xf32, #tpu.memory_space<smem>>
    %eq3A_246 = arith.constant 7 : i32
    %eq3A_247 = arith.cmpi eq, %arg0, %eq3A_246 : i32
    %convert_element_type3A_248 = arith.extui %eq3A_247 : i1 to i32
    %cond3A = arith.constant 0 : i32
    %cond3A_249 = arith.cmpi ne, %convert_element_type3A_248, %cond3A : i32
    scf.if %cond3A_249 {
      %mul3A = arith.constant 5.96046448E-7 : f32
      %mul3A_250 = arith.mulf %add3A_242, %mul3A : f32
      %swap3A_251 = arith.constant 0 : index
      %swap3A_252 = arith.constant 0 : index
      %swap3A_253 = memref.load %arg6[%swap3A_251, %swap3A_252] : memref<1x1xf32, #tpu.memory_space<smem>>
      memref.store %mul3A_250, %arg6[%swap3A_251, %swap3A_252] : memref<1x1xf32, #tpu.memory_space<smem>>
    } else {
    }
    return
  }
  func.func @transform_0(%arg0: i32) -> (i32, i32) {
    %c0_i32 = arith.constant 0 : i32
    %c0_i32_0 = arith.constant 0 : i32
    return %arg0, %c0_i32 : i32, i32
  }
  func.func @transform_1(%arg0: i32) -> (i32, i32) {
    %c0_i32 = arith.constant 0 : i32
    %c0_i32_0 = arith.constant 0 : i32
    %c0_i32_1 = arith.constant 0 : i32
    return %c0_i32, %c0_i32_0 : i32, i32
  }
  func.func @transform_2(%arg0: i32) -> (i32, i32) {
    %c0_i32 = arith.constant 0 : i32
    %c0_i32_0 = arith.constant 0 : i32
    return %c0_i32, %arg0 : i32, i32
  }
  func.func @transform_3(%arg0: i32) -> (i32, i32) {
    %c0_i32 = arith.constant 0 : i32
    %c0_i32_0 = arith.constant 0 : i32
    %c0_i32_1 = arith.constant 0 : i32
    return %c0_i32, %c0_i32_0 : i32, i32
  }
  func.func @transform_4(%arg0: i32) -> (i32, i32, i32) {
    %c0_i32 = arith.constant 0 : i32
    %c0_i32_0 = arith.constant 0 : i32
    %c0_i32_1 = arith.constant 0 : i32
    return %arg0, %c0_i32, %c0_i32_0 : i32, i32, i32
  }
  func.func @transform_5(%arg0: i32) -> (i32, i32) {
    %c0_i32 = arith.constant 0 : i32
    %c0_i32_0 = arith.constant 0 : i32
    %c0_i32_1 = arith.constant 0 : i32
    return %c0_i32, %c0_i32_0 : i32, i32
  }
}

</mosaic_0001>

<sc_bundles>
// kernel: kernel.4.cloned.1.call-start
scs
__scs_entry_jumppad:
0x0: {  	(pc) =	sbr.rel $0x88, $3  }
0x1: {  	(tag) =	ssettag $0x0;
	lr =	simm.s32 $0x1  }
0x2: {  	[smem:$0x3F9F] =	sst lr;
	_ =	strace $0xD0000000  }
0x3: {  	_ = 	snop  }
0x4: {  	_ = 	snop  }
0x5: {  	_ = 	snop  }
0x6: {  	_ = 	snop  }
0x7: {  	_ = 	snop  }
__scs_overlays_trampoline_lowered:
0x8: {  	[smem:$0x3FAE] =	sst s0  }
0x9: {  	[smem:$0x3FAF] =	sst s1  }
0xa: {  	[smem:$0x3FB0] =	sst s2  }
0xb: {  	[smem:$0x3FB1] =	sst s3  }
0xc: {  	[smem:$0x3FB2] =	sst s4  }
0xd: {  	[smem:$0x3FB3] =	sst s5  }
0xe: {  	[smem:$0x3FB4] =	sst s6  }
0xf: {  	[smem:$0x3FB5] =	sst s7  }
0x10: {  	[smem:$0x3FB6] =	sst s8  }
0x11: {  	[smem:$0x3FB7] =	sst s9;
	s0 =	simm.s32 @!p0 $0x0  }
0x12: {  	s1 =	sld [smem:$0x3F9D];
	s0 =	simm.s32 @p0 $0x1  }
0x13: {  	[smem:$0x3FB8] =	sst s0;
	s0 =	simm.s32 @!p1 $0x0  }
0x14: {  	s2 =	sld [smem:$0x3F9C];
	s0 =	simm.s32 @p1 $0x1  }
0x15: {  	[smem:$0x3FB9] =	sst s0;
	s0 =	simm.s32 @!p2 $0x0  }
0x16: {  	s3 =	sld [smem:$0x3FDB];
	s0 =	simm.s32 @p2 $0x1  }
0x17: {  	s4 =	simm.s32 $0x1BF5;
	[smem:$0x3FBB] =	sst s0  }
0x18: {  	s0 =	sld [smem:$0x3F9E];
	_ =	swait.ge [sflag:s4], $0x0  }
0x19: {  	s7 =	sld [smem:$0x3F9F]  }
0x1a: {  	s8 =	sadd.s32 $0xFFFFE003, lr  }
0x1b: {  	s9 =	sadd.s32 $0xFFFFFEF7, lr;
	s5 =	simm.s32 $0xFFFFFFFF;
	p2 =	slt.u32 s8, $0xFFFFF086  }
0x1c: {  	p1 =	slt.u32 s9, $0xF7A;
	s5 =	simm.s32 @!p2 $0x0  }
0x1d: {  	s5 =	simm.s32 @p1 $0x1;
	p0 =	seq.s32 s7, s2  }
0x1e: {  	s7 =	smul.u32 @!p0 $0xF7A, s2;
	p2 =	seq.s32 @!p0 s5, $0x0  }
0x1f: {  	s9 =	smul.u32 $0xF7A, s1;
	s8 =	simm.s32 @!p0 $0x1BF5;
	p2 =	por !p2, p0  }
0x20: {  	[sflag:s8] =	ssyncset.s32 @!p0 $0xFFFFF086;
	s6 =	sadd.s32 @!p0 s3, s7;
	s7 =	simm.s32 @!p0 $0x108  }
0x21: {  	s3 =	sadd.s32 s3, s9;
	s6 =	sadd.s32 @!p0 $0x88, s6;
	s7 =	simm.s32 @p2 $0x1082  }
0x22: {  	[simem:s7], [sflag:s8] =	dma.local @!p0 [hbm:s6], $0xF7A  }
0x23: {  	s9 =	sor.u32 $0xD0000000, s2;
	s6 =	simm.s32 $0x108;
	_ =	swait.ge @!p0 [sflag:s8], $0x0  }
0x24: {  	s3 =	sadd.s32 $0x88, s3;
	s6 =	simm.s32 @!p1 $0x1082;
	[sflag:s4] =	ssyncset.s32 $0xFFFFF086  }
0x25: {  	[simem:s6], [sflag:s4] =	dma.local [hbm:s3], $0xF7A  }
0x26: {  	[smem:$0x3F9F] =	sst s1;
	(tag) =	ssettag s2;
	_ =	strace s9  }
0x27: {  	s1 =	sld [smem:$0x3FAF]  }
0x28: {  	s2 =	sld [smem:$0x3FB0]  }
0x29: {  	s4 =	sld [smem:$0x3FB2]  }
0x2a: {  	p0 =	seq.s32 s5, $0x0;
	s5 =	sld [smem:$0x3FB3]  }
0x2b: {  	s6 =	sld [smem:$0x3FB4]  }
0x2c: {  	s7 =	sld [smem:$0x3FB5]  }
0x2d: {  	s3 =	simm.s32 $0x108;
	s8 =	sld [smem:$0x3FB6]  }
0x2e: {  	s3 =	simm.s32 @!p0 $0x1082;
	s9 =	sld [smem:$0x3FB7]  }
0x2f: {  	lr =	sadd.s32 s0, s3;
	s0 =	sld [smem:$0x3FAE]  }
0x30: {  	s3 =	sld [smem:$0x3FB1]  }
0x31: {  	[smem:$0x3FBA] =	sst s10  }
0x32: {  	s10 =	sld [smem:$0x3FB8];
	_ =	sdelay $0x3  }
0x33: {  	p0 =	seq.s32 s10, $0x1;
	s10 =	sld [smem:$0x3FBA];
	_ =	sdelay $0x3  }
0x34: {  	[smem:$0x3FBA] =	sst s10  }
0x35: {  	s10 =	sld [smem:$0x3FB9];
	_ =	sdelay $0x3  }
0x36: {  	p1 =	seq.s32 s10, $0x1;
	s10 =	sld [smem:$0x3FBA];
	_ =	sdelay $0x3  }
0x37: {  	[smem:$0x3FBA] =	sst s10  }
0x38: {  	s10 =	sld [smem:$0x3FBB]  }
0x39: {  	_ = 	snop;
	(pc) =	sbr.ind lr, $3  }
0x3a: {  	_ = 	snop  }
0x3b: {  	_ = 	snop  }
0x3c: {  	p2 =	seq.s32 s10, $0x1;
	s10 =	sld [smem:$0x3FBA]  }
0x3d: {  	_ =	shalt  }
0x3e: {  	_ =	shalt  }
0x3f: {  	_ =	shalt  }
0x40: {  	_ =	shalt  }
0x41: {  	_ =	shalt  }
0x42: {  	_ =	shalt  }
0x43: {  	_ =	shalt  }
0x44: {  	_ =	shalt  }
0x45: {  	_ =	shalt  }
0x46: {  	_ =	shalt  }
0x47: {  	_ =	shalt  }
0x48: {  	_ =	shalt  }
0x49: {  	_ =	shalt  }
0x4a: {  	_ =	shalt  }
0x4b: {  	_ =	shalt  }
0x4c: {  	_ =	shalt  }
0x4d: {  	_ =	shalt  }
0x4e: {  	_ =	shalt  }
0x4f: {  	_ =	shalt  }
0x50: {  	_ =	shalt  }
0x51: {  	_ =	shalt  }
0x52: {  	_ =	shalt  }
0x53: {  	_ =	shalt  }
0x54: {  	_ =	shalt  }
0x55: {  	_ =	shalt  }
0x56: {  	_ =	shalt  }
0x57: {  	_ =	shalt  }
0x58: {  	_ =	shalt  }
0x59: {  	_ =	shalt  }
0x5a: {  	_ =	shalt  }
0x5b: {  	_ =	shalt  }
0x5c: {  	_ =	shalt  }
0x5d: {  	_ =	shalt  }
0x5e: {  	_ =	shalt  }
0x5f: {  	_ =	shalt  }
0x60: {  	_ =	shalt  }
0x61: {  	_ =	shalt  }
0x62: {  	_ =	shalt  }
0x63: {  	_ =	shalt  }
0x64: {  	_ =	shalt  }
0x65: {  	_ =	shalt  }
0x66: {  	_ =	shalt  }
0x67: {  	_ =	shalt  }
0x68: {  	_ =	shalt  }
0x69: {  	_ =	shalt  }
0x6a: {  	_ =	shalt  }
0x6b: {  	_ =	shalt  }
0x6c: {  	_ =	shalt  }
0x6d: {  	_ =	shalt  }
0x6e: {  	_ =	shalt  }
0x6f: {  	_ =	shalt  }
0x70: {  	_ =	shalt  }
0x71: {  	_ =	shalt  }
0x72: {  	_ =	shalt  }
0x73: {  	_ =	shalt  }
0x74: {  	_ =	shalt  }
0x75: {  	_ =	shalt  }
0x76: {  	_ =	shalt  }
0x77: {  	_ =	shalt  }
0x78: {  	_ =	shalt  }
0x79: {  	_ =	shalt  }
0x7a: {  	_ =	shalt  }
0x7b: {  	_ =	shalt  }
0x7c: {  	_ =	shalt  }
0x7d: {  	_ =	shalt  }
0x7e: {  	_ =	shalt  }
0x7f: {  	_ =	shalt  }
0x80: {  	_ =	shalt  }
0x81: {  	_ =	shalt  }
0x82: {  	_ =	shalt  }
0x83: {  	_ =	shalt  }
0x84: {  	_ =	shalt  }
0x85: {  	_ =	shalt  }
0x86: {  	_ =	shalt  }
0x87: {  	_ =	shalt  }
.Lfunc_end0:
.L_simem_size_0:
called_computation_lowered:
.L_overlay_start_0:
0x88: {  	s2 =	sld [smem:$0x3FD9]  }
0x89: {  	s3 =	sld [smem:$0x3FFE];
	_ =	sdelay $0x1  }
0x8a: {  	s1 =	srdreg.scid  }
0x8b: {  	s0 =	sand.u32 $0x1, s1  }
0x8c: {  	s14 =	sshll.u32 s0, $0xA;
	s2 =	sadd.s32 s3, s2  }
0x8d: {  	s2 =	sadd.s32 s2, s14  }
0x8e: {  	[smem:$0x3FC6] =	sst s2  }
0x8f: {  	_ = 	snop  }
0x90: {  	s2 =	sld [smem:$0x3FD0];
	_ =	sdelay $0x2  }
0x91: {  	s4 =	simm.s32 $0xA;
	s5 =	simm.s32 $0x10;
	s15 =	sld [smem:$0x3FC8]  }
0x92: {  	[smem:s5], [sflag:s4] =	dma.local [hbm:s2], $0x1  }
0x93: {  	_ =	swait.eq [sflag:s4], $0x1  }
0x94: {  	[sflag:s4] =	ssyncset.done $0x0  }
0x95: {  	[sflag:s4] =	ssyncadd.s32 $0xFFFFFFFF  }
0x96: {  	s16 =	sld [smem:$0x10];
	(tm) =	ssettm $0x1  }
0x97: {  	s17 =	sld [smem:$0x3FFB];
	_ =	sdelay $0x3  }
0x98: {  	_ =	strace s17  }
0x99: {  	s4 =	sld [smem:$0x3FFC];
	_ =	sdelay $0x3  }
0x9a: {  	_ =	strace s4  }
0x9b: {  	s4 =	sld [smem:$0x3FFD];
	_ =	sdelay $0x3  }
0x9c: {  	_ =	strace s4  }
0x9d: {  	_ =	strace $0x8FFFFFFF  }
0x9e: {  	s18 =	sld [smem:$0x3FDB];
	_ =	sdelay $0x1  }
0x9f: {  	s19 =	simm.s32 $_scs_section_size  }
0xa0: {  	s6 =	simm.s32 $_size__tile_overlayer_lowered;
	s7 =	simm.s32 $_tile_overlayer_lowered  }
0xa1: {  	s22 =	simm.s32 $0x1BFF;
	s21 =	sshll.u32 s7, $0x1;
	s4 =	sadd.s32 s19, s18  }
0xa2: {  	s8 =	simm.s32 $0x0;
	s20 =	sshll.u32 s6, $0x1;
	s6 =	sadd.s32 s21, s4  }
0xa3: {  	[timem:s8], [sflag:s22] =	dma.local [hbm:s6], s20  }
0xa4: {  	_ =	swait.ge [sflag:s22], s20  }
0xa5: {  	s5 =	ssub.s32 $0x0, s20;
	[sflag:s22] =	ssyncset.done $0x0  }
0xa6: {  	[sflag:s22] =	ssyncadd.s32 s5;
	_ =	sdelay $0x1  }
0xa7: {  	s23 =	simm.s32 $0x1B8B  }
0xa8: {  	_ =	swait.ge [sflag:s23], $0x1  }
0xa9: {  	[sflag:s23] =	ssyncset.done $0x0  }
0xaa: {  	s25 =	simm.s32 $0x1B8E;
	s24 =	sld [smem:$0x3FFE];
	[sflag:s23] =	ssyncadd.s32 $0xFFFFFFFF  }
0xab: {  	s26 =	simm.s32 $execute0_lowered;
	[smem:$0x3FD2] =	sst s25  }
0xac: {  	s6 =	sshll.u32 s26, $0x1;
	_ =	strace $0x80000046;
	[dreg:$0x1] =	wrdreg $0xFFFFFFFF  }
0xad: {  	s28 =	simm.s32 $_size_execute0_lowered;
	s4 =	sadd.s32 s4, s6;
	[dreg:$0x0] =	wrdreg $0x0  }
0xae: {  	s6 =	sshll.u32 s28, $0x1;
	[dreg:$0x2] =	wrdreg s4  }
0xaf: {  	[dreg:$0x3] =	wrdreg s6  }
0xb0: {  	[dreg:$0x4] =	wrdreg $0xC0  }
0xb1: {  	_ =	task [dreg:s8], $0x5FFFF  }
0xb2: {  	[dreg:$0x1] =	wrdreg $0xFFFFFFFF  }
0xb3: {  	[dreg:$0x0] =	wrdreg $0x60  }
0xb4: {  	[dreg:$0x2] =	wrdreg s15  }
0xb5: {  	[dreg:$0x3] =	wrdreg s24  }
0xb6: {  	[dreg:$0x4] =	wrdreg s16  }
0xb7: {  	[dreg:$0x5] =	wrdreg $0x9  }
0xb8: {  	_ =	task.clear_ibuf [dreg:s8], $0x6FFFF;
	_ =	strace $0x90000046  }
0xb9: {  	s29 =	simm.s32 $0x9;
	_ =	strace $0x80000048  }
0xba: {  	_ =	swait.ge [sflag:s29], $0x1  }
0xbb: {  	[sflag:s29] =	ssyncadd.s32 $0xFFFFFFFF  }
0xbc: {  	_ =	strace $0x90000048  }
0xbd: {  	_ =	sfence  }
0xbe: {  	s30 =	sld [smem:$0x0];
	_ =	sdelay $0x2  }
0xbf: {  	s31 =	sshll.u32 s1, $0xD;
	s1 =	sshrl.u32 s1, $0x2  }
0xc0: {  	s3 =	sand.u32 $0x4000, s31;
	s1 =	sadd.s32 s1, s30  }
0xc1: {  	s0 =	sor.u32 s3, s0;
	s1 =	sshll.u32 s1, $0x11  }
0xc2: {  	s0 =	sor.u32 s1, s0  }
0xc3: {  	s0 =	sadd.s32 $0x8F2B, s0  }
0xc4: {  	[sflag:s0] =	ssyncadd.remote.s32 $0x1  }
0xc5: {  	_ =	sfence.sel $0xFFFF  }
0xc6: {  	[dreg:$0x0] =	wrdreg $0xFFFFFFFF;
	(pc) =	sbr.abs _section_cstart, $3  }
0xc7: {  	[dreg:$0x1] =	wrdreg $0xFFFFFFFF  }
0xc8: {  	_ =	task.clear_ibuf [dreg:s8], $0x2FFFF;
	_ =	strace $0x9FFFFFFF  }
0xc9: {  	(tm) =	ssettm $0x7FFFFFFF  }
tec
execute0_lowered:
.L_overlay_start_1:
0x0: {  	(tag) =	ssettag $0x1  }
0x1: {  	s1 =	rddreg [dreg:$0x0]  }
0x2: {  	s2 =	srdreg.scid;
	s4 =	rddreg [dreg:$0x1]  }
0x3: {  	s0 =	stileid.u32;
	s6 =	rddreg [dreg:$0x2]  }
0x4: {  	s18 =	simm.s32 $0x900;
	s19 =	simm.s32 $0x1100;
	s20 =	simm.s32 $0x1900  }
0x5: {  	s21 =	simm.s32 $0x2100;
	s22 =	simm.s32 $0x2900;
	s24 =	simm.s32 $0x3100  }
0x6: {  	s25 =	simm.s32 $0x3900;
	s26 =	simm.s32 $0x4100;
	s9 =	simm.s32 $0x5100  }
0x7: {  	s10 =	simm.s32 $0x5900;
	s11 =	simm.s32 $0x6100;
	s2 =	sand.u32 $0x1, s2  }
0x8: {  	s12 =	simm.s32 $0x6900;
	s3 =	sshll.u32 s0, $0x9;
	s5 =	sshll.u32 s2, $0x8  }
0x9: {  	s13 =	simm.s32 $0x7100;
	s5 =	sor.u32 s5, s3;
	s3 =	simm.s32 $0x0  }
0xa: {  	s14 =	simm.s32 $0x7900;
	s15 =	simm.s32 $0x8100;
	[smem:$0x7FF] =	sst s3  }
0xb: {  	s16 =	simm.s32 $0x8900;
	_ =	strace $0x80000047;
	[dreg:$0x6] =	wrdreg s18  }
0xc: {  	s17 =	simm.s32 $0x9100;
	s28 =	simm.s32 $0xE100;
	[dreg:$0x7] =	wrdreg s19  }
0xd: {  	s29 =	simm.s32 $0xE900;
	s30 =	simm.s32 $0xF100;
	[dreg:$0x8] =	wrdreg s20  }
0xe: {  	s31 =	simm.s32 $0xF900;
	s2 =	ssub.s32 $0x2, s2;
	[dreg:$0x9] =	wrdreg s21  }
0xf: {  	s23 =	sshrl.u32 s2, $0x1;
	s7 =	sshrl.u32 s5, $0x3;
	[dreg:$0xa] =	wrdreg s22  }
0x10: {  	s5 =	sshll.u32 s5, $0x5;
	s2 =	ssub.s32 s2, s23;
	[dreg:$0xb] =	wrdreg s24  }
0x11: {  	s23 =	simm.s32 $0xC100;
	s4 =	sadd.s32 s7, s4;
	[dreg:$0xc] =	wrdreg s25  }
0x12: {  	[dreg:$0xd] =	wrdreg s26;
	s18 =	simm.s32 $0x9900;
	s19 =	simm.s32 $0xA100  }
0x13: {  	s20 =	simm.s32 $0xA900;
	s21 =	simm.s32 $0xB100;
	s22 =	simm.s32 $0xB900  }
0x14: {  	s24 =	simm.s32 $0xC900;
	s25 =	simm.s32 $0xD100;
	s26 =	simm.s32 $0xD900  }
0x15: {  	v2 =	vlaneseq.u32;
	s7 =	sadd.s32 $0x200, s4;
	s4 =	sadd.s32 s6, s5;
	s6 =	simm.s32 $0x2  }
0x16: {  	vm0 =	vmmov $0xffff;
	v1 =	vshrl.u32 v2, $0x3;
	[dreg:$0x4] =	wrdreg s7;
	s5 =	sadd.s32 $0x1000, s4;
	s7 =	simm.s32 $0x100  }
0x17: {  	v0 =	vand.u32 $0x7, v2;
	v2 =	vor.u32 $0x8, v2;
	v1 =	vmul.u32 $0x8, v1;
	[dreg:$0x5] =	wrdreg s5;
	s5 =	smax.u32 s2, $0x1;
	s2 =	simm.s32 $0x1  }
.LBB2_1:
0x18: {  	s0 =	rddreg [dreg:$0x4]  }
0x19: {  	[tilespmem:s3], [sflag:$0x2] =	stream.linear.gather [hbm4b:s0+s3], $0x100, $0x38;
	[tilespmem:$0x10100] =	vst v63  }
0x1a: {  	_ =	swait.ge [sflag:s6], $0x100  }
0x1b: {  	[sflag:s6] =	ssyncset.done $0x0  }
0x1c: {  	[sflag:s6] =	ssyncadd.s32 $0xFFFFFF00  }
0x1d: {  	v3 =	vld [tilespmem:$0x0];
	_ =	sdelay $0x4  }
0x1e: {  	v4 =	vshll.u32 v3, $0x1  }
0x1f: {  	v3 =	vand.u32 $0x7, v3;
	v4 =	vand.u32 $0xFFFFFFF0, v4  }
0x20: {  	v3 =	vor.u32 v3, v4  }
0x21: {  	v4 =	vperm.xlane v3, v0;
	_ =	sdelay $0x1  }
0x22: {  	v3 =	vperm.xlane v3, v2;
	v4 =	vadd.s32 v1, v4;
	_ =	sdelay $0x1  }
0x23: {  	v3 =	vadd.s32 v1, v3;
	_ =	sdelay $0x2  }
0x24: {  	[tilespmem:s7], [sflag:$0x1] =	stream.indirect_vreg.gather [hbm4b:s1+s3], $0x80, v4, vm0, $0xb8;
	[tilespmem:$0x10100] =	vst v63  }
0x25: {  	s8 =	rddreg [dreg:$0x6]  }
0x26: {  	[tilespmem:s8], [sflag:$0x1] =	stream.indirect_vreg.gather [hbm4b:s1+s3], $0x80, v3, vm0, $0xb8;
	[tilespmem:$0x10100] =	vst v63  }
0x27: {  	v3 =	vld [tilespmem:$0x10];
	_ =	sdelay $0x4  }
0x28: {  	v49 =	vshll.u32 v3, $0x1  }
0x29: {  	v3 =	vand.u32 $0x7, v3;
	v4 =	vand.u32 $0xFFFFFFF0, v49  }
0x2a: {  	v3 =	vor.u32 v3, v4  }
0x2b: {  	v4 =	vperm.xlane v3, v0;
	_ =	sdelay $0x1  }
0x2c: {  	v3 =	vperm.xlane v3, v2;
	v4 =	vadd.s32 v1, v4;
	_ =	sdelay $0x1  }
0x2d: {  	v3 =	vadd.s32 v1, v3;
	_ =	sdelay $0x1  }
0x2e: {  	s0 =	rddreg [dreg:$0x7]  }
0x2f: {  	[tilespmem:s0], [sflag:$0x1] =	stream.indirect_vreg.gather [hbm4b:s1+s3], $0x80, v4, vm0, $0xb8;
	[tilespmem:$0x10100] =	vst v63  }
0x30: {  	s8 =	rddreg [dreg:$0x8]  }
0x31: {  	[tilespmem:s8], [sflag:$0x1] =	stream.indirect_vreg.gather [hbm4b:s1+s3], $0x80, v3, vm0, $0xb8;
	[tilespmem:$0x10100] =	vst v63  }
0x32: {  	v3 =	vld [tilespmem:$0x20];
	_ =	sdelay $0x4  }
0x33: {  	v50 =	vshll.u32 v3, $0x1  }
0x34: {  	v3 =	vand.u32 $0x7, v3;
	v4 =	vand.u32 $0xFFFFFFF0, v50  }
0x35: {  	v3 =	vor.u32 v3, v4  }
0x36: {  	v4 =	vperm.xlane v3, v0;
	_ =	sdelay $0x1  }
0x37: {  	v3 =	vperm.xlane v3, v2;
	v4 =	vadd.s32 v1, v4;
	_ =	sdelay $0x1  }
0x38: {  	v3 =	vadd.s32 v1, v3;
	_ =	sdelay $0x1  }
0x39: {  	s0 =	rddreg [dreg:$0x9]  }
0x3a: {  	[tilespmem:s0], [sflag:$0x1] =	stream.indirect_vreg.gather [hbm4b:s1+s3], $0x80, v4, vm0, $0xb8;
	[tilespmem:$0x10100] =	vst v63  }
0x3b: {  	s8 =	rddreg [dreg:$0xa]  }
0x3c: {  	[tilespmem:s8], [sflag:$0x1] =	stream.indirect_vreg.gather [hbm4b:s1+s3], $0x80, v3, vm0, $0xb8;
	[tilespmem:$0x10100] =	vst v63  }
0x3d: {  	v3 =	vld [tilespmem:$0x30];
	_ =	sdelay $0x4  }
0x3e: {  	v51 =	vshll.u32 v3, $0x1  }
0x3f: {  	v3 =	vand.u32 $0x7, v3;
	v4 =	vand.u32 $0xFFFFFFF0, v51  }
0x40: {  	v3 =	vor.u32 v3, v4  }
0x41: {  	v4 =	vperm.xlane v3, v0;
	_ =	sdelay $0x1  }
0x42: {  	v3 =	vperm.xlane v3, v2;
	v4 =	vadd.s32 v1, v4;
	_ =	sdelay $0x1  }
0x43: {  	v3 =	vadd.s32 v1, v3;
	_ =	sdelay $0x1  }
0x44: {  	s0 =	rddreg [dreg:$0xb]  }
0x45: {  	[tilespmem:s0], [sflag:$0x1] =	stream.indirect_vreg.gather [hbm4b:s1+s3], $0x80, v4, vm0, $0xb8;
	[tilespmem:$0x10100] =	vst v63  }
0x46: {  	s8 =	rddreg [dreg:$0xc]  }
0x47: {  	[tilespmem:s8], [sflag:$0x1] =	stream.indirect_vreg.gather [hbm4b:s1+s3], $0x80, v3, vm0, $0xb8;
	[tilespmem:$0x10100] =	vst v63  }
0x48: {  	v3 =	vld [tilespmem:$0x40];
	_ =	sdelay $0x4  }
0x49: {  	v52 =	vshll.u32 v3, $0x1  }
0x4a: {  	v3 =	vand.u32 $0x7, v3;
	v4 =	vand.u32 $0xFFFFFFF0, v52  }
0x4b: {  	v3 =	vor.u32 v3, v4  }
0x4c: {  	v4 =	vperm.xlane v3, v0;
	_ =	sdelay $0x1  }
0x4d: {  	v3 =	vperm.xlane v3, v2;
	v4 =	vadd.s32 v1, v4;
	_ =	sdelay $0x1  }
0x4e: {  	v3 =	vadd.s32 v1, v3;
	_ =	sdelay $0x1  }
0x4f: {  	s8 =	rddreg [dreg:$0xd]  }
0x50: {  	[tilespmem:s8], [sflag:$0x1] =	stream.indirect_vreg.gather [hbm4b:s1+s3], $0x80, v4, vm0, $0xb8;
	[tilespmem:$0x10100] =	vst v63  }
0x51: {  	s8 =	simm.s32 $0x4900  }
0x52: {  	[tilespmem:s8], [sflag:$0x1] =	stream.indirect_vreg.gather [hbm4b:s1+s3], $0x80, v3, vm0, $0xb8;
	[tilespmem:$0x10100] =	vst v63  }
0x53: {  	v3 =	vld [tilespmem:$0x50];
	_ =	sdelay $0x4  }
0x54: {  	v53 =	vshll.u32 v3, $0x1  }
0x55: {  	v3 =	vand.u32 $0x7, v3;
	v4 =	vand.u32 $0xFFFFFFF0, v53  }
0x56: {  	v3 =	vor.u32 v3, v4  }
0x57: {  	v4 =	vperm.xlane v3, v0;
	_ =	sdelay $0x1  }
0x58: {  	v3 =	vperm.xlane v3, v2;
	v4 =	vadd.s32 v1, v4;
	_ =	sdelay $0x1  }
0x59: {  	v3 =	vadd.s32 v1, v3;
	_ =	sdelay $0x2  }
0x5a: {  	[tilespmem:s9], [sflag:$0x1] =	stream.indirect_vreg.gather [hbm4b:s1+s3], $0x80, v4, vm0, $0xb8;
	[tilespmem:$0x10100] =	vst v63  }
0x5b: {  	_ = 	snop  }
0x5c: {  	[tilespmem:s10], [sflag:$0x1] =	stream.indirect_vreg.gather [hbm4b:s1+s3], $0x80, v3, vm0, $0xb8;
	[tilespmem:$0x10100] =	vst v63  }
0x5d: {  	v3 =	vld [tilespmem:$0x60];
	_ =	sdelay $0x4  }
0x5e: {  	v54 =	vshll.u32 v3, $0x1  }
0x5f: {  	v3 =	vand.u32 $0x7, v3;
	v4 =	vand.u32 $0xFFFFFFF0, v54  }
0x60: {  	v3 =	vor.u32 v3, v4  }
0x61: {  	v4 =	vperm.xlane v3, v0;
	_ =	sdelay $0x1  }
0x62: {  	v3 =	vperm.xlane v3, v2;
	v4 =	vadd.s32 v1, v4;
	_ =	sdelay $0x1  }
0x63: {  	v3 =	vadd.s32 v1, v3;
	_ =	sdelay $0x2  }
0x64: {  	[tilespmem:s11], [sflag:$0x1] =	stream.indirect_vreg.gather [hbm4b:s1+s3], $0x80, v4, vm0, $0xb8;
	[tilespmem:$0x10100] =	vst v63  }
0x65: {  	_ = 	snop  }
0x66: {  	[tilespmem:s12], [sflag:$0x1] =	stream.indirect_vreg.gather [hbm4b:s1+s3], $0x80, v3, vm0, $0xb8;
	[tilespmem:$0x10100] =	vst v63  }
0x67: {  	v3 =	vld [tilespmem:$0x70];
	_ =	sdelay $0x4  }
0x68: {  	v55 =	vshll.u32 v3, $0x1  }
0x69: {  	v3 =	vand.u32 $0x7, v3;
	v4 =	vand.u32 $0xFFFFFFF0, v55  }
0x6a: {  	v3 =	vor.u32 v3, v4  }
0x6b: {  	v4 =	vperm.xlane v3, v0;
	_ =	sdelay $0x1  }
0x6c: {  	v3 =	vperm.xlane v3, v2;
	v4 =	vadd.s32 v1, v4;
	_ =	sdelay $0x1  }
0x6d: {  	v3 =	vadd.s32 v1, v3;
	_ =	sdelay $0x2  }
0x6e: {  	[tilespmem:s13], [sflag:$0x1] =	stream.indirect_vreg.gather [hbm4b:s1+s3], $0x80, v4, vm0, $0xb8;
	[tilespmem:$0x10100] =	vst v63  }
0x6f: {  	_ = 	snop  }
0x70: {  	[tilespmem:s14], [sflag:$0x1] =	stream.indirect_vreg.gather [hbm4b:s1+s3], $0x80, v3, vm0, $0xb8;
	[tilespmem:$0x10100] =	vst v63  }
0x71: {  	v3 =	vld [tilespmem:$0x80];
	_ =	sdelay $0x4  }
0x72: {  	v56 =	vshll.u32 v3, $0x1  }
0x73: {  	v3 =	vand.u32 $0x7, v3;
	v4 =	vand.u32 $0xFFFFFFF0, v56  }
0x74: {  	v3 =	vor.u32 v3, v4  }
0x75: {  	v4 =	vperm.xlane v3, v0;
	_ =	sdelay $0x1  }
0x76: {  	v3 =	vperm.xlane v3, v2;
	v4 =	vadd.s32 v1, v4;
	_ =	sdelay $0x1  }
0x77: {  	v3 =	vadd.s32 v1, v3;
	_ =	sdelay $0x2  }
0x78: {  	[tilespmem:s15], [sflag:$0x1] =	stream.indirect_vreg.gather [hbm4b:s1+s3], $0x80, v4, vm0, $0xb8;
	[tilespmem:$0x10100] =	vst v63  }
0x79: {  	_ = 	snop  }
0x7a: {  	[tilespmem:s16], [sflag:$0x1] =	stream.indirect_vreg.gather [hbm4b:s1+s3], $0x80, v3, vm0, $0xb8;
	[tilespmem:$0x10100] =	vst v63  }
0x7b: {  	v3 =	vld [tilespmem:$0x90];
	_ =	sdelay $0x4  }
0x7c: {  	v57 =	vshll.u32 v3, $0x1  }
0x7d: {  	v3 =	vand.u32 $0x7, v3;
	v4 =	vand.u32 $0xFFFFFFF0, v57  }
0x7e: {  	v3 =	vor.u32 v3, v4  }
0x7f: {  	v4 =	vperm.xlane v3, v0;
	_ =	sdelay $0x1  }
0x80: {  	v3 =	vperm.xlane v3, v2;
	v4 =	vadd.s32 v1, v4;
	_ =	sdelay $0x1  }
0x81: {  	v3 =	vadd.s32 v1, v3;
	_ =	sdelay $0x2  }
0x82: {  	[tilespmem:s17], [sflag:$0x1] =	stream.indirect_vreg.gather [hbm4b:s1+s3], $0x80, v4, vm0, $0xb8;
	[tilespmem:$0x10100] =	vst v63  }
0x83: {  	_ = 	snop  }
0x84: {  	[tilespmem:s18], [sflag:$0x1] =	stream.indirect_vreg.gather [hbm4b:s1+s3], $0x80, v3, vm0, $0xb8;
	[tilespmem:$0x10100] =	vst v63  }
0x85: {  	v3 =	vld [tilespmem:$0xA0];
	_ =	sdelay $0x4  }
0x86: {  	v58 =	vshll.u32 v3, $0x1  }
0x87: {  	v3 =	vand.u32 $0x7, v3;
	v4 =	vand.u32 $0xFFFFFFF0, v58  }
0x88: {  	v3 =	vor.u32 v3, v4  }
0x89: {  	v4 =	vperm.xlane v3, v0;
	_ =	sdelay $0x1  }
0x8a: {  	v3 =	vperm.xlane v3, v2;
	v4 =	vadd.s32 v1, v4;
	_ =	sdelay $0x1  }
0x8b: {  	v3 =	vadd.s32 v1, v3;
	_ =	sdelay $0x2  }
0x8c: {  	[tilespmem:s19], [sflag:$0x1] =	stream.indirect_vreg.gather [hbm4b:s1+s3], $0x80, v4, vm0, $0xb8;
	[tilespmem:$0x10100] =	vst v63  }
0x8d: {  	_ = 	snop  }
0x8e: {  	[tilespmem:s20], [sflag:$0x1] =	stream.indirect_vreg.gather [hbm4b:s1+s3], $0x80, v3, vm0, $0xb8;
	[tilespmem:$0x10100] =	vst v63  }
0x8f: {  	v3 =	vld [tilespmem:$0xB0];
	_ =	sdelay $0x4  }
0x90: {  	v59 =	vshll.u32 v3, $0x1  }
0x91: {  	v3 =	vand.u32 $0x7, v3;
	v4 =	vand.u32 $0xFFFFFFF0, v59  }
0x92: {  	v3 =	vor.u32 v3, v4  }
0x93: {  	v4 =	vperm.xlane v3, v0;
	_ =	sdelay $0x1  }
0x94: {  	v3 =	vperm.xlane v3, v2;
	v4 =	vadd.s32 v1, v4;
	_ =	sdelay $0x1  }
0x95: {  	v3 =	vadd.s32 v1, v3;
	_ =	sdelay $0x2  }
0x96: {  	[tilespmem:s21], [sflag:$0x1] =	stream.indirect_vreg.gather [hbm4b:s1+s3], $0x80, v4, vm0, $0xb8;
	[tilespmem:$0x10100] =	vst v63  }
0x97: {  	_ = 	snop  }
0x98: {  	[tilespmem:s22], [sflag:$0x1] =	stream.indirect_vreg.gather [hbm4b:s1+s3], $0x80, v3, vm0, $0xb8;
	[tilespmem:$0x10100] =	vst v63  }
0x99: {  	v3 =	vld [tilespmem:$0xC0];
	_ =	sdelay $0x4  }
0x9a: {  	v60 =	vshll.u32 v3, $0x1  }
0x9b: {  	v3 =	vand.u32 $0x7, v3;
	v4 =	vand.u32 $0xFFFFFFF0, v60  }
0x9c: {  	v3 =	vor.u32 v3, v4  }
0x9d: {  	v4 =	vperm.xlane v3, v0;
	_ =	sdelay $0x1  }
0x9e: {  	v3 =	vperm.xlane v3, v2;
	v4 =	vadd.s32 v1, v4;
	_ =	sdelay $0x1  }
0x9f: {  	v3 =	vadd.s32 v1, v3;
	_ =	sdelay $0x2  }
0xa0: {  	[tilespmem:s23], [sflag:$0x1] =	stream.indirect_vreg.gather [hbm4b:s1+s3], $0x80, v4, vm0, $0xb8;
	[tilespmem:$0x10100] =	vst v63  }
0xa1: {  	_ = 	snop  }
0xa2: {  	[tilespmem:s24], [sflag:$0x1] =	stream.indirect_vreg.gather [hbm4b:s1+s3], $0x80, v3, vm0, $0xb8;
	[tilespmem:$0x10100] =	vst v63  }
0xa3: {  	v3 =	vld [tilespmem:$0xD0];
	_ =	sdelay $0x4  }
0xa4: {  	v61 =	vshll.u32 v3, $0x1  }
0xa5: {  	v3 =	vand.u32 $0x7, v3;
	v4 =	vand.u32 $0xFFFFFFF0, v61  }
0xa6: {  	v3 =	vor.u32 v3, v4  }
0xa7: {  	v4 =	vperm.xlane v3, v0;
	_ =	sdelay $0x1  }
0xa8: {  	v3 =	vperm.xlane v3, v2;
	v4 =	vadd.s32 v1, v4;
	_ =	sdelay $0x1  }
0xa9: {  	v3 =	vadd.s32 v1, v3;
	_ =	sdelay $0x2  }
0xaa: {  	[tilespmem:s25], [sflag:$0x1] =	stream.indirect_vreg.gather [hbm4b:s1+s3], $0x80, v4, vm0, $0xb8;
	[tilespmem:$0x10100] =	vst v63  }
0xab: {  	_ = 	snop  }
0xac: {  	[tilespmem:s26], [sflag:$0x1] =	stream.indirect_vreg.gather [hbm4b:s1+s3], $0x80, v3, vm0, $0xb8;
	[tilespmem:$0x10100] =	vst v63  }
0xad: {  	v3 =	vld [tilespmem:$0xE0];
	_ =	sdelay $0x4  }
0xae: {  	v62 =	vshll.u32 v3, $0x1  }
0xaf: {  	v3 =	vand.u32 $0x7, v3;
	v4 =	vand.u32 $0xFFFFFFF0, v62  }
0xb0: {  	v3 =	vor.u32 v3, v4  }
0xb1: {  	v4 =	vperm.xlane v3, v0;
	_ =	sdelay $0x1  }
0xb2: {  	v3 =	vperm.xlane v3, v2;
	v4 =	vadd.s32 v1, v4;
	_ =	sdelay $0x1  }
0xb3: {  	v3 =	vadd.s32 v1, v3;
	_ =	sdelay $0x2  }
0xb4: {  	[tilespmem:s28], [sflag:$0x1] =	stream.indirect_vreg.gather [hbm4b:s1+s3], $0x80, v4, vm0, $0xb8;
	[tilespmem:$0x10100] =	vst v63  }
0xb5: {  	_ = 	snop  }
0xb6: {  	[tilespmem:s29], [sflag:$0x1] =	stream.indirect_vreg.gather [hbm4b:s1+s3], $0x80, v3, vm0, $0xb8;
	[tilespmem:$0x10100] =	vst v63  }
0xb7: {  	v3 =	vld [tilespmem:$0xF0];
	_ =	sdelay $0x4  }
0xb8: {  	v63 =	vshll.u32 v3, $0x1  }
0xb9: {  	v3 =	vand.u32 $0x7, v3;
	v4 =	vand.u32 $0xFFFFFFF0, v63  }
0xba: {  	v3 =	vor.u32 v3, v4  }
0xbb: {  	v4 =	vperm.xlane v3, v0;
	_ =	sdelay $0x1  }
0xbc: {  	v3 =	vperm.xlane v3, v2;
	v4 =	vadd.s32 v1, v4;
	_ =	sdelay $0x1  }
0xbd: {  	v3 =	vadd.s32 v1, v3;
	_ =	sdelay $0x2  }
0xbe: {  	[tilespmem:s30], [sflag:$0x1] =	stream.indirect_vreg.gather [hbm4b:s1+s3], $0x80, v4, vm0, $0xb8;
	[tilespmem:$0x10100] =	vst v63  }
0xbf: {  	_ = 	snop  }
0xc0: {  	[tilespmem:s31], [sflag:$0x1] =	stream.indirect_vreg.gather [hbm4b:s1+s3], $0x80, v3, vm0, $0xb8;
	[tilespmem:$0x10100] =	vst v63  }
0xc1: {  	_ =	swait.ge [sflag:s2], $0x8000  }
0xc2: {  	[sflag:s2] =	ssyncset.done $0x0  }
0xc3: {  	[sflag:s2] =	ssyncadd.s32 $0xFFFF8000  }
0xc4: {  	_ =	swait.ge [sflag:s2], $0x8000  }
0xc5: {  	[sflag:s2] =	ssyncset.done $0x0  }
0xc6: {  	[sflag:s2] =	ssyncadd.s32 $0xFFFF8000  }
0xc7: {  	[hbm4b:s4+s3] =	stream.linear.scatter [tilespmem:s7], [sflag:$0x2], $0x8000, $0x38;
	[tilespmem:$0x10100] =	vst v63  }
0xc8: {  	_ =	swait.ge [sflag:s6], $0x8000  }
0xc9: {  	p0 =	sne.s32 s5, $0x1;
	[sflag:s6] =	ssyncset.done $0x0  }
.Ltmp0:
0xca: {  	s8 =	rddreg [dreg:$0x5];
	[sflag:s6] =	ssyncadd.s32 $0xFFFF8000;
	(pc) =	sbr.rel @p0 .LBB2_1-.Ltmp0, $4  }
0xcb: {  	[hbm4b:s8+s3] =	stream.linear.scatter [tilespmem:s15], [sflag:$0x2], $0x8000, $0x38;
	[tilespmem:$0x10100] =	vst v63  }
0xcc: {  	_ =	swait.ge [sflag:s6], $0x8000  }
0xcd: {  	[sflag:s6] =	ssyncset.done $0x0  }
0xce: {  	s5 =	sadd.s32 $0xFFFFFFFF, s5;
	[sflag:s6] =	ssyncadd.s32 $0xFFFF8000  }
0xcf: {  	_ =	sfence.sel $0x180000  }
0xd0: {  	[bflag:$0x0] =	sbarrier.arrive $0xFFFF  }
0xd1: {  	_ =	strace $0x90000047  }
0xd2: {  	s0 =	stileid.u32;
	[bflag:$0x2] =	sbarrier.arrive $0xFFFF  }
0xd3: {  	p0 =	sne.s32 s0, $0x0;
	s0 =	rddreg [dreg:$0x3]  }
0xd4: {  	s0 =	sadd.s32 @!p0 $0x100000, s0  }
0xd5: {  	[sflag:s0] =	ssyncadd.tile.s32 @!p0 $0x1;
	_ =	shalt  }
.Lfunc_end2:
_tile_overlayer_lowered:
.L_overlay_start_2:
0xd6: {  	(tag) =	ssettag $0x2  }
0xd7: {  	s0 =	rddreg [dreg:$0x0];
	s2 =	stileid.u32  }
0xd8: {  	s1 =	rddreg [dreg:$0x1];
	p0 =	sne.s32 s2, $0x0  }
0xd9: {  	s3 =	rddreg [dreg:$0x2];
	[bflag:$0x3] =	sbarrier.arrive $0xFFFF;
	s2 =	simm.s32 @!p0 $0x1C02  }
0xda: {  	[timem:s3], [sflag:s2] =	dma.local @!p0 [hbm:s0], s1  }
0xdb: {  	s0 =	simm.s32 @!p0 $0x2  }
0xdc: {  	_ =	swait.ge @!p0 [sflag:s0], s1  }
0xdd: {  	s1 =	ssub.s32 @!p0 $0x0, s1;
	[sflag:s0] =	ssyncset.done @!p0 $0x0  }
0xde: {  	[sflag:s0] =	ssyncadd.s32 @!p0 s1  }
0xdf: {  	[bflag:$0x3] =	sbarrier.arrive $0xFFFF  }
0xe0: {  	_ =	shalt  }

</sc_bundles>
